<compile_context>
chip_gen: v7x
topology: tpu7x:2x2x1
jax: 0.10.2.dev20260603
libtpu: 0.0.44.dev20260713+nightly
codegen_flags: <defaults>
</compile_context>

<pallas_src>
import functools

import jax
import jax.numpy as jnp
from jax import lax
from jax.experimental import pallas as pl
from jax.experimental.pallas import tpu as pltpu
from jax.experimental.pallas import tpu_sc as plsc

_VOCAB = 1000
_EMB = 32
_T = 8

_NC = 2
_NS = 16
_NW = _NC * _NS

_GATHER_ROWS = 256
_GROUP = 4


def _sc_gather(tok_table, idx2d):
  n_streams, g = idx2d.shape
  n_total = n_streams * g
  streams_per_w = n_streams // _NW
  groups_per_w = streams_per_w // _GROUP
  rows_per_group = _GROUP * g
  mesh = plsc.VectorSubcoreMesh(core_axis_name="c", subcore_axis_name="s")

  @functools.partial(
      pl.kernel,
      mesh=mesh,
      out_type=jax.ShapeDtypeStruct((n_total, _EMB), jnp.float32),
      compiler_params=pltpu.CompilerParams(use_tc_tiling_on_sc=False),
      scratch_types=[
          pltpu.VMEM((streams_per_w, g), jnp.int32),
          pltpu.VMEM((rows_per_group, _EMB), jnp.float32),
          pltpu.VMEM((rows_per_group, _EMB), jnp.float32),
          pltpu.SemaphoreType.DMA,
          pltpu.SemaphoreType.DMA,
          pltpu.SemaphoreType.DMA,
      ],
  )
  def k(table_hbm, idx_hbm, out_hbm, idx_v, buf_a, buf_b, gsem_a, gsem_b,
        wsem):
    wid = lax.axis_index("s") * _NC + lax.axis_index("c")
    base_stream = wid * streams_per_w
    pltpu.sync_copy(idx_hbm.at[pl.ds(base_stream, streams_per_w)], idx_v)

    def pair_body(j, carry):
      ga = [
          pltpu.async_copy(
              table_hbm.at[idx_v.at[(2 * j) * _GROUP + t]],
              buf_a.at[pl.ds(t * g, g)], gsem_a)
          for t in range(_GROUP)
      ]
      gb = [
          pltpu.async_copy(
              table_hbm.at[idx_v.at[(2 * j + 1) * _GROUP + t]],
              buf_b.at[pl.ds(t * g, g)], gsem_b)
          for t in range(_GROUP)
      ]
      for cp in ga:
        cp.wait()
      row_a = (base_stream + (2 * j) * _GROUP) * g
      wa = pltpu.async_copy(buf_a, out_hbm.at[pl.ds(row_a, rows_per_group)],
                            wsem)
      for cp in gb:
        cp.wait()
      row_b = (base_stream + (2 * j + 1) * _GROUP) * g
      wb = pltpu.async_copy(buf_b, out_hbm.at[pl.ds(row_b, rows_per_group)],
                            wsem)
      wa.wait()
      wb.wait()
      return carry

    lax.fori_loop(0, groups_per_w // 2, pair_body, 0)

  return k(tok_table, idx2d)


def _tc_head(x, pos_table, w, b2, tgt2, block_rows):
  n = x.shape[0]
  grid = n // block_rows

  def body(x_ref, pos_ref, w_ref, b_ref, t_ref, out_ref, loss_ref):
    i = pl.program_id(0)
    wmat = w_ref[...]
    logits = jnp.dot(x_ref[...], wmat,
                     preferred_element_type=jnp.float32)
    posw = jnp.dot(pos_ref[...], wmat,
                   preferred_element_type=jnp.float32)
    pb = posw + b_ref[...]
    pb_full = jnp.broadcast_to(
        pb[None], (block_rows // _T, _T, _VOCAB)).reshape(block_rows, _VOCAB)
    logits = logits + pb_full
    out_ref[...] = logits

    m = jnp.max(logits, axis=1, keepdims=True)
    s = jnp.sum(jnp.exp(logits - m), axis=1, keepdims=True)
    lse = m + jnp.log(s)
    col = lax.broadcasted_iota(jnp.int32, (block_rows, _VOCAB), 1)
    tl = jnp.sum(jnp.where(col == t_ref[...], logits, 0.0),
                 axis=1, keepdims=True)
    part = jnp.sum(lse - tl).reshape(1, 1)

    @pl.when(i == 0)
    def _():
      loss_ref[...] = jnp.zeros((1, 1), jnp.float32)

    loss_ref[...] += part

  return pl.pallas_call(
      body,
      grid=(grid,),
      in_specs=[
          pl.BlockSpec((block_rows, _EMB), lambda i: (i, 0)),
          pl.BlockSpec((_T, _EMB), lambda i: (0, 0)),
          pl.BlockSpec((_EMB, _VOCAB), lambda i: (0, 0)),
          pl.BlockSpec((1, _VOCAB), lambda i: (0, 0)),
          pl.BlockSpec((block_rows, 1), lambda i: (i, 0)),
      ],
      out_specs=[
          pl.BlockSpec((block_rows, _VOCAB), lambda i: (i, 0)),
          pl.BlockSpec((1, 1), lambda i: (0, 0)),
      ],
      out_shape=[
          jax.ShapeDtypeStruct((n, _VOCAB), jnp.float32),
          jax.ShapeDtypeStruct((1, 1), jnp.float32),
      ],
      compiler_params=pltpu.CompilerParams(
          vmem_limit_bytes=100 * 1024 * 1024),
  )(x, pos_table, w, b2, tgt2)


def kernel(inputs, targets, tok_table, pos_table, W, b):
  bd, td = inputs.shape
  n = bd * td
  idx2d = inputs.reshape(n // _GATHER_ROWS, _GATHER_ROWS).astype(jnp.int32)
  x = _sc_gather(tok_table, idx2d)
  tgt2 = targets.reshape(n, 1).astype(jnp.int32)
  logits, loss_sum = _tc_head(x, pos_table, W, b.reshape(1, _VOCAB), tgt2,
                              block_rows=4096)
  return logits, loss_sum[0, 0] / n

# --- scband reference (transcript-rebuilt; emitter-appended) ---
"""Pipeline reference for scband-bigram-lm-33148557591112 (READ-ONLY COPY).

The authoritative reference and input builder live on the scoring server;
editing this copy changes nothing except your own understanding.
"""

import jax, jax.numpy as jnp
import numpy as np

VOCAB = 1000
NUM_EMB = 32
BLOCK = 8
B = 16384
T = 8


def setup_inputs(seed: int = 0) -> dict:
    key = jax.random.key(seed)
    ks = jax.random.split(key, 6)
    inputs = jax.random.randint(ks[0], (B, T), 0, VOCAB)
    targets = jax.random.randint(ks[1], (B, T), 0, VOCAB)
    tok_table = jax.random.normal(ks[2], (VOCAB, NUM_EMB), dtype=jnp.float32) * 0.02
    pos_table = jax.random.normal(ks[3], (BLOCK, NUM_EMB), dtype=jnp.float32) * 0.02
    W = jax.random.normal(ks[4], (NUM_EMB, VOCAB), dtype=jnp.float32) * 0.02
    b = jnp.zeros((VOCAB,), dtype=jnp.float32)
    return {"inputs": inputs, "targets": targets, "tok_table": tok_table,
            "pos_table": pos_table, "W": W, "b": b}


def reference(inputs, targets, tok_table, pos_table, W, b):
    Bd, Td = inputs.shape
    # token embedding lookup (gather)
    token_emb = jnp.take(tok_table, inputs, axis=0)          # [B, T, num_emb]
    # position embedding lookup
    pos_emb = jnp.take(pos_table, jnp.arange(Td), axis=0)    # [T, num_emb]
    x = token_emb + pos_emb[None, :, :]                      # [B, T, num_emb]
    logits = x @ W + b                                       # [B, T, vocab]
    logits_flat = logits.reshape(Bd * Td, VOCAB)
    t_flat = targets.reshape(-1)
    logp = jax.nn.log_softmax(logits_flat, axis=-1)
    nll = -jnp.take_along_axis(logp, t_flat[:, None], axis=1)[:, 0]
    loss = jnp.mean(nll)
    return logits_flat, loss

if __name__ == "__main__":
    import jax
    _d = setup_inputs()
    print(jax.jit(kernel)(*tuple(_d.values())))

</pallas_src>

<mosaic_0001>
#map = affine_map<(d0, d1) -> (0, 0)>
module attributes {stable_mosaic.version = 14 : i64} {
  func.func @k(%arg0: i32, %arg1: i32, %arg2: memref<1000x32xf32, #tpu.memory_space<hbm>>, %arg3: memref<512x256xi32, #tpu.memory_space<hbm>>, %arg4: memref<131072x32xf32, #tpu.memory_space<hbm>>, %arg5: memref<16x256xi32, #tpu.memory_space<vmem>>, %arg6: memref<1024x32xf32, #tpu.memory_space<vmem>>, %arg7: memref<1024x32xf32, #tpu.memory_space<vmem>>, %arg8: memref<!tpu.dma_semaphore, #tpu.memory_space<semaphore_mem>>, %arg9: memref<!tpu.dma_semaphore, #tpu.memory_space<semaphore_mem>>, %arg10: memref<!tpu.dma_semaphore, #tpu.memory_space<semaphore_mem>>) attributes {dimension_semantics = [#tpu.dimension_semantics<core_parallel>, #tpu.dimension_semantics<subcore_parallel>], iteration_bounds = array<i64: 2, 16>, scalar_prefetch = 0 : i64, scratch_operands = 6 : i64, tpu.core_type = #tpu.core_type<sc_vector_subcore>, window_params = [{transform_indices = #map}, {transform_indices = #map}, {transform_indices = #map}]} {
    %mul3A = arith.constant 2 : i32
    %mul3A_0 = arith.muli %arg1, %mul3A : i32
    %add3A = arith.addi %mul3A_0, %arg0 : i32
    %mul3A_1 = arith.constant 16 : i32
    %mul3A_2 = arith.muli %add3A, %mul3A_1 : i32
    "tpu.region"() ({
      %run_scoped3A = tpu.sem_alloc : memref<!tpu.dma_semaphore, #tpu.memory_space<semaphore_mem>>
      %dma_start3A = arith.constant 0 : i32
      %dma_start3A_8 = tpu.memref_slice %arg3[%mul3A_2, %dma_start3A] : memref<512x256xi32, #tpu.memory_space<hbm>> -> memref<16x256xi32, #tpu.memory_space<hbm>>
      %dma_start3A_9 = arith.constant 0 : i32
      %dma_start3A_10 = tpu.memref_slice %arg3[%mul3A_2, %dma_start3A_9] : memref<512x256xi32, #tpu.memory_space<hbm>> -> memref<16x256xi32, #tpu.memory_space<hbm>>
      tpu.enqueue_dma source(%dma_start3A_10 : memref<16x256xi32, #tpu.memory_space<hbm>>) target(%arg5 : memref<16x256xi32, #tpu.memory_space<vmem>>) target_semaphore(%run_scoped3A : memref<!tpu.dma_semaphore, #tpu.memory_space<semaphore_mem>>)
      %dma_wait3A = arith.constant 0 : i32
      %dma_wait3A_11 = tpu.memref_slice %arg3[%mul3A_2, %dma_wait3A] : memref<512x256xi32, #tpu.memory_space<hbm>> -> memref<16x256xi32, #tpu.memory_space<hbm>>
      %dma_wait3A_12 = arith.constant 0 : i32
      %dma_wait3A_13 = tpu.memref_slice %arg3[%mul3A_2, %dma_wait3A_12] : memref<512x256xi32, #tpu.memory_space<hbm>> -> memref<16x256xi32, #tpu.memory_space<hbm>>
      tpu.wait_dma2 semaphore(%run_scoped3A : memref<!tpu.dma_semaphore, #tpu.memory_space<semaphore_mem>>) src(%dma_wait3A_13 : memref<16x256xi32, #tpu.memory_space<hbm>>) dst(%arg5 : memref<16x256xi32, #tpu.memory_space<vmem>>)
      tpu.yield
    }) : () -> ()
    %scan3A = arith.constant 0 : i32
    %scan3A_3 = arith.constant 0 : i32
    %scan3A_4 = arith.constant 2 : i32
    %scan3A_5 = arith.addi %scan3A_3, %scan3A_4 : i32
    %scan3A_6 = arith.constant 1 : i32
    scf.for %scan3A_8 = %scan3A_3 to %scan3A_5 step %scan3A_6  : i32 {
      %mul3A_9 = arith.constant 2 : i32
      %mul3A_10 = arith.muli %mul3A_9, %scan3A_8 : i32
      %mul3A_11 = arith.constant 4 : i32
      %mul3A_12 = arith.muli %mul3A_10, %mul3A_11 : i32
      %add3A_13 = arith.constant 0 : i32
      %add3A_14 = arith.addi %mul3A_12, %add3A_13 : i32
      %dma_start3A = arith.constant 0 : i32
      %dma_start3A_15 = arith.constant 0 : i32
      %dma_start3A_16 = tpu.memref_slice %arg6[%dma_start3A, %dma_start3A_15] : memref<1024x32xf32, #tpu.memory_space<vmem>> -> memref<256x32xf32, #tpu.memory_space<vmem>>
      %dma_start3A_17 = arith.constant 0 : i32
      %dma_start3A_18 = tpu.memref_slice %arg5[%add3A_14, %dma_start3A_17] : memref<16x256xi32, #tpu.memory_space<vmem>> -> memref<1x256xi32, #tpu.memory_space<vmem>>
      %dma_start3A_19 = tpu.memref_squeeze %dma_start3A_18 : memref<1x256xi32, #tpu.memory_space<vmem>> -> memref<256xi32, #tpu.memory_space<vmem>>
      %dma_start3A_20 = arith.constant 0 : i32
      %dma_start3A_21 = arith.constant 0 : i32
      %dma_start3A_22 = tpu.memref_slice %arg2[%dma_start3A_20, %dma_start3A_21] : memref<1000x32xf32, #tpu.memory_space<hbm>> -> memref<1000x32xf32, #tpu.memory_space<hbm>>
      tpu.enqueue_indirect_dma source(%dma_start3A_22 : memref<1000x32xf32, #tpu.memory_space<hbm>>) target(%dma_start3A_16 : memref<256x32xf32, #tpu.memory_space<vmem>>) offsets(%dma_start3A_19 : memref<256xi32, #tpu.memory_space<vmem>>) semaphore(%arg8 : memref<!tpu.dma_semaphore, #tpu.memory_space<semaphore_mem>>)
      %mul3A_23 = arith.constant 2 : i32
      %mul3A_24 = arith.muli %mul3A_23, %scan3A_8 : i32
      %mul3A_25 = arith.constant 4 : i32
      %mul3A_26 = arith.muli %mul3A_24, %mul3A_25 : i32
      %add3A_27 = arith.constant 1 : i32
      %add3A_28 = arith.addi %mul3A_26, %add3A_27 : i32
      %dma_start3A_29 = arith.constant 256 : i32
      %dma_start3A_30 = arith.constant 0 : i32
      %dma_start3A_31 = tpu.memref_slice %arg6[%dma_start3A_29, %dma_start3A_30] : memref<1024x32xf32, #tpu.memory_space<vmem>> -> memref<256x32xf32, #tpu.memory_space<vmem>>
      %dma_start3A_32 = arith.constant 0 : i32
      %dma_start3A_33 = tpu.memref_slice %arg5[%add3A_28, %dma_start3A_32] : memref<16x256xi32, #tpu.memory_space<vmem>> -> memref<1x256xi32, #tpu.memory_space<vmem>>
      %dma_start3A_34 = tpu.memref_squeeze %dma_start3A_33 : memref<1x256xi32, #tpu.memory_space<vmem>> -> memref<256xi32, #tpu.memory_space<vmem>>
      %dma_start3A_35 = arith.constant 0 : i32
      %dma_start3A_36 = arith.constant 0 : i32
      %dma_start3A_37 = tpu.memref_slice %arg2[%dma_start3A_35, %dma_start3A_36] : memref<1000x32xf32, #tpu.memory_space<hbm>> -> memref<1000x32xf32, #tpu.memory_space<hbm>>
      tpu.enqueue_indirect_dma source(%dma_start3A_37 : memref<1000x32xf32, #tpu.memory_space<hbm>>) target(%dma_start3A_31 : memref<256x32xf32, #tpu.memory_space<vmem>>) offsets(%dma_start3A_34 : memref<256xi32, #tpu.memory_space<vmem>>) semaphore(%arg8 : memref<!tpu.dma_semaphore, #tpu.memory_space<semaphore_mem>>)
      %mul3A_38 = arith.constant 2 : i32
      %mul3A_39 = arith.muli %mul3A_38, %scan3A_8 : i32
      %mul3A_40 = arith.constant 4 : i32
      %mul3A_41 = arith.muli %mul3A_39, %mul3A_40 : i32
      %add3A_42 = arith.constant 2 : i32
      %add3A_43 = arith.addi %mul3A_41, %add3A_42 : i32
      %dma_start3A_44 = arith.constant 512 : i32
      %dma_start3A_45 = arith.constant 0 : i32
      %dma_start3A_46 = tpu.memref_slice %arg6[%dma_start3A_44, %dma_start3A_45] : memref<1024x32xf32, #tpu.memory_space<vmem>> -> memref<256x32xf32, #tpu.memory_space<vmem>>
      %dma_start3A_47 = arith.constant 0 : i32
      %dma_start3A_48 = tpu.memref_slice %arg5[%add3A_43, %dma_start3A_47] : memref<16x256xi32, #tpu.memory_space<vmem>> -> memref<1x256xi32, #tpu.memory_space<vmem>>
      %dma_start3A_49 = tpu.memref_squeeze %dma_start3A_48 : memref<1x256xi32, #tpu.memory_space<vmem>> -> memref<256xi32, #tpu.memory_space<vmem>>
      %dma_start3A_50 = arith.constant 0 : i32
      %dma_start3A_51 = arith.constant 0 : i32
      %dma_start3A_52 = tpu.memref_slice %arg2[%dma_start3A_50, %dma_start3A_51] : memref<1000x32xf32, #tpu.memory_space<hbm>> -> memref<1000x32xf32, #tpu.memory_space<hbm>>
      tpu.enqueue_indirect_dma source(%dma_start3A_52 : memref<1000x32xf32, #tpu.memory_space<hbm>>) target(%dma_start3A_46 : memref<256x32xf32, #tpu.memory_space<vmem>>) offsets(%dma_start3A_49 : memref<256xi32, #tpu.memory_space<vmem>>) semaphore(%arg8 : memref<!tpu.dma_semaphore, #tpu.memory_space<semaphore_mem>>)
      %mul3A_53 = arith.constant 2 : i32
      %mul3A_54 = arith.muli %mul3A_53, %scan3A_8 : i32
      %mul3A_55 = arith.constant 4 : i32
      %mul3A_56 = arith.muli %mul3A_54, %mul3A_55 : i32
      %add3A_57 = arith.constant 3 : i32
      %add3A_58 = arith.addi %mul3A_56, %add3A_57 : i32
      %dma_start3A_59 = arith.constant 768 : i32
      %dma_start3A_60 = arith.constant 0 : i32
      %dma_start3A_61 = tpu.memref_slice %arg6[%dma_start3A_59, %dma_start3A_60] : memref<1024x32xf32, #tpu.memory_space<vmem>> -> memref<256x32xf32, #tpu.memory_space<vmem>>
      %dma_start3A_62 = arith.constant 0 : i32
      %dma_start3A_63 = tpu.memref_slice %arg5[%add3A_58, %dma_start3A_62] : memref<16x256xi32, #tpu.memory_space<vmem>> -> memref<1x256xi32, #tpu.memory_space<vmem>>
      %dma_start3A_64 = tpu.memref_squeeze %dma_start3A_63 : memref<1x256xi32, #tpu.memory_space<vmem>> -> memref<256xi32, #tpu.memory_space<vmem>>
      %dma_start3A_65 = arith.constant 0 : i32
      %dma_start3A_66 = arith.constant 0 : i32
      %dma_start3A_67 = tpu.memref_slice %arg2[%dma_start3A_65, %dma_start3A_66] : memref<1000x32xf32, #tpu.memory_space<hbm>> -> memref<1000x32xf32, #tpu.memory_space<hbm>>
      tpu.enqueue_indirect_dma source(%dma_start3A_67 : memref<1000x32xf32, #tpu.memory_space<hbm>>) target(%dma_start3A_61 : memref<256x32xf32, #tpu.memory_space<vmem>>) offsets(%dma_start3A_64 : memref<256xi32, #tpu.memory_space<vmem>>) semaphore(%arg8 : memref<!tpu.dma_semaphore, #tpu.memory_space<semaphore_mem>>)
      %mul3A_68 = arith.constant 2 : i32
      %mul3A_69 = arith.muli %mul3A_68, %scan3A_8 : i32
      %add3A_70 = arith.constant 1 : i32
      %add3A_71 = arith.addi %mul3A_69, %add3A_70 : i32
      %mul3A_72 = arith.constant 4 : i32
      %mul3A_73 = arith.muli %add3A_71, %mul3A_72 : i32
      %add3A_74 = arith.constant 0 : i32
      %add3A_75 = arith.addi %mul3A_73, %add3A_74 : i32
      %dma_start3A_76 = arith.constant 0 : i32
      %dma_start3A_77 = arith.constant 0 : i32
      %dma_start3A_78 = tpu.memref_slice %arg7[%dma_start3A_76, %dma_start3A_77] : memref<1024x32xf32, #tpu.memory_space<vmem>> -> memref<256x32xf32, #tpu.memory_space<vmem>>
      %dma_start3A_79 = arith.constant 0 : i32
      %dma_start3A_80 = tpu.memref_slice %arg5[%add3A_75, %dma_start3A_79] : memref<16x256xi32, #tpu.memory_space<vmem>> -> memref<1x256xi32, #tpu.memory_space<vmem>>
      %dma_start3A_81 = tpu.memref_squeeze %dma_start3A_80 : memref<1x256xi32, #tpu.memory_space<vmem>> -> memref<256xi32, #tpu.memory_space<vmem>>
      %dma_start3A_82 = arith.constant 0 : i32
      %dma_start3A_83 = arith.constant 0 : i32
      %dma_start3A_84 = tpu.memref_slice %arg2[%dma_start3A_82, %dma_start3A_83] : memref<1000x32xf32, #tpu.memory_space<hbm>> -> memref<1000x32xf32, #tpu.memory_space<hbm>>
      tpu.enqueue_indirect_dma source(%dma_start3A_84 : memref<1000x32xf32, #tpu.memory_space<hbm>>) target(%dma_start3A_78 : memref<256x32xf32, #tpu.memory_space<vmem>>) offsets(%dma_start3A_81 : memref<256xi32, #tpu.memory_space<vmem>>) semaphore(%arg9 : memref<!tpu.dma_semaphore, #tpu.memory_space<semaphore_mem>>)
      %mul3A_85 = arith.constant 2 : i32
      %mul3A_86 = arith.muli %mul3A_85, %scan3A_8 : i32
      %add3A_87 = arith.constant 1 : i32
      %add3A_88 = arith.addi %mul3A_86, %add3A_87 : i32
      %mul3A_89 = arith.constant 4 : i32
      %mul3A_90 = arith.muli %add3A_88, %mul3A_89 : i32
      %add3A_91 = arith.constant 1 : i32
      %add3A_92 = arith.addi %mul3A_90, %add3A_91 : i32
      %dma_start3A_93 = arith.constant 256 : i32
      %dma_start3A_94 = arith.constant 0 : i32
      %dma_start3A_95 = tpu.memref_slice %arg7[%dma_start3A_93, %dma_start3A_94] : memref<1024x32xf32, #tpu.memory_space<vmem>> -> memref<256x32xf32, #tpu.memory_space<vmem>>
      %dma_start3A_96 = arith.constant 0 : i32
      %dma_start3A_97 = tpu.memref_slice %arg5[%add3A_92, %dma_start3A_96] : memref<16x256xi32, #tpu.memory_space<vmem>> -> memref<1x256xi32, #tpu.memory_space<vmem>>
      %dma_start3A_98 = tpu.memref_squeeze %dma_start3A_97 : memref<1x256xi32, #tpu.memory_space<vmem>> -> memref<256xi32, #tpu.memory_space<vmem>>
      %dma_start3A_99 = arith.constant 0 : i32
      %dma_start3A_100 = arith.constant 0 : i32
      %dma_start3A_101 = tpu.memref_slice %arg2[%dma_start3A_99, %dma_start3A_100] : memref<1000x32xf32, #tpu.memory_space<hbm>> -> memref<1000x32xf32, #tpu.memory_space<hbm>>
      tpu.enqueue_indirect_dma source(%dma_start3A_101 : memref<1000x32xf32, #tpu.memory_space<hbm>>) target(%dma_start3A_95 : memref<256x32xf32, #tpu.memory_space<vmem>>) offsets(%dma_start3A_98 : memref<256xi32, #tpu.memory_space<vmem>>) semaphore(%arg9 : memref<!tpu.dma_semaphore, #tpu.memory_space<semaphore_mem>>)
      %mul3A_102 = arith.constant 2 : i32
      %mul3A_103 = arith.muli %mul3A_102, %scan3A_8 : i32
      %add3A_104 = arith.constant 1 : i32
      %add3A_105 = arith.addi %mul3A_103, %add3A_104 : i32
      %mul3A_106 = arith.constant 4 : i32
      %mul3A_107 = arith.muli %add3A_105, %mul3A_106 : i32
      %add3A_108 = arith.constant 2 : i32
      %add3A_109 = arith.addi %mul3A_107, %add3A_108 : i32
      %dma_start3A_110 = arith.constant 512 : i32
      %dma_start3A_111 = arith.constant 0 : i32
      %dma_start3A_112 = tpu.memref_slice %arg7[%dma_start3A_110, %dma_start3A_111] : memref<1024x32xf32, #tpu.memory_space<vmem>> -> memref<256x32xf32, #tpu.memory_space<vmem>>
      %dma_start3A_113 = arith.constant 0 : i32
      %dma_start3A_114 = tpu.memref_slice %arg5[%add3A_109, %dma_start3A_113] : memref<16x256xi32, #tpu.memory_space<vmem>> -> memref<1x256xi32, #tpu.memory_space<vmem>>
      %dma_start3A_115 = tpu.memref_squeeze %dma_start3A_114 : memref<1x256xi32, #tpu.memory_space<vmem>> -> memref<256xi32, #tpu.memory_space<vmem>>
      %dma_start3A_116 = arith.constant 0 : i32
      %dma_start3A_117 = arith.constant 0 : i32
      %dma_start3A_118 = tpu.memref_slice %arg2[%dma_start3A_116, %dma_start3A_117] : memref<1000x32xf32, #tpu.memory_space<hbm>> -> memref<1000x32xf32, #tpu.memory_space<hbm>>
      tpu.enqueue_indirect_dma source(%dma_start3A_118 : memref<1000x32xf32, #tpu.memory_space<hbm>>) target(%dma_start3A_112 : memref<256x32xf32, #tpu.memory_space<vmem>>) offsets(%dma_start3A_115 : memref<256xi32, #tpu.memory_space<vmem>>) semaphore(%arg9 : memref<!tpu.dma_semaphore, #tpu.memory_space<semaphore_mem>>)
      %mul3A_119 = arith.constant 2 : i32
      %mul3A_120 = arith.muli %mul3A_119, %scan3A_8 : i32
      %add3A_121 = arith.constant 1 : i32
      %add3A_122 = arith.addi %mul3A_120, %add3A_121 : i32
      %mul3A_123 = arith.constant 4 : i32
      %mul3A_124 = arith.muli %add3A_122, %mul3A_123 : i32
      %add3A_125 = arith.constant 3 : i32
      %add3A_126 = arith.addi %mul3A_124, %add3A_125 : i32
      %dma_start3A_127 = arith.constant 768 : i32
      %dma_start3A_128 = arith.constant 0 : i32
      %dma_start3A_129 = tpu.memref_slice %arg7[%dma_start3A_127, %dma_start3A_128] : memref<1024x32xf32, #tpu.memory_space<vmem>> -> memref<256x32xf32, #tpu.memory_space<vmem>>
      %dma_start3A_130 = arith.constant 0 : i32
      %dma_start3A_131 = tpu.memref_slice %arg5[%add3A_126, %dma_start3A_130] : memref<16x256xi32, #tpu.memory_space<vmem>> -> memref<1x256xi32, #tpu.memory_space<vmem>>
      %dma_start3A_132 = tpu.memref_squeeze %dma_start3A_131 : memref<1x256xi32, #tpu.memory_space<vmem>> -> memref<256xi32, #tpu.memory_space<vmem>>
      %dma_start3A_133 = arith.constant 0 : i32
      %dma_start3A_134 = arith.constant 0 : i32
      %dma_start3A_135 = tpu.memref_slice %arg2[%dma_start3A_133, %dma_start3A_134] : memref<1000x32xf32, #tpu.memory_space<hbm>> -> memref<1000x32xf32, #tpu.memory_space<hbm>>
      tpu.enqueue_indirect_dma source(%dma_start3A_135 : memref<1000x32xf32, #tpu.memory_space<hbm>>) target(%dma_start3A_129 : memref<256x32xf32, #tpu.memory_space<vmem>>) offsets(%dma_start3A_132 : memref<256xi32, #tpu.memory_space<vmem>>) semaphore(%arg9 : memref<!tpu.dma_semaphore, #tpu.memory_space<semaphore_mem>>)
      %dma_wait3A = arith.constant 0 : i32
      %dma_wait3A_136 = arith.constant 0 : i32
      %dma_wait3A_137 = tpu.memref_slice %arg6[%dma_wait3A, %dma_wait3A_136] : memref<1024x32xf32, #tpu.memory_space<vmem>> -> memref<256x32xf32, #tpu.memory_space<vmem>>
      %dma_wait3A_138 = arith.constant 0 : i32
      %dma_wait3A_139 = tpu.memref_slice %arg5[%add3A_14, %dma_wait3A_138] : memref<16x256xi32, #tpu.memory_space<vmem>> -> memref<1x256xi32, #tpu.memory_space<vmem>>
      %dma_wait3A_140 = tpu.memref_squeeze %dma_wait3A_139 : memref<1x256xi32, #tpu.memory_space<vmem>> -> memref<256xi32, #tpu.memory_space<vmem>>
      %dma_wait3A_141 = arith.constant 0 : i32
      %dma_wait3A_142 = arith.constant 0 : i32
      %dma_wait3A_143 = tpu.memref_slice %arg2[%dma_wait3A_141, %dma_wait3A_142] : memref<1000x32xf32, #tpu.memory_space<hbm>> -> memref<1000x32xf32, #tpu.memory_space<hbm>>
      tpu.wait_indirect_dma semaphore(%arg8 : memref<!tpu.dma_semaphore, #tpu.memory_space<semaphore_mem>>) src(%dma_wait3A_143 : memref<1000x32xf32, #tpu.memory_space<hbm>>) dst(%dma_wait3A_137 : memref<256x32xf32, #tpu.memory_space<vmem>>)
      %dma_wait3A_144 = arith.constant 256 : i32
      %dma_wait3A_145 = arith.constant 0 : i32
      %dma_wait3A_146 = tpu.memref_slice %arg6[%dma_wait3A_144, %dma_wait3A_145] : memref<1024x32xf32, #tpu.memory_space<vmem>> -> memref<256x32xf32, #tpu.memory_space<vmem>>
      %dma_wait3A_147 = arith.constant 0 : i32
      %dma_wait3A_148 = tpu.memref_slice %arg5[%add3A_28, %dma_wait3A_147] : memref<16x256xi32, #tpu.memory_space<vmem>> -> memref<1x256xi32, #tpu.memory_space<vmem>>
      %dma_wait3A_149 = tpu.memref_squeeze %dma_wait3A_148 : memref<1x256xi32, #tpu.memory_space<vmem>> -> memref<256xi32, #tpu.memory_space<vmem>>
      %dma_wait3A_150 = arith.constant 0 : i32
      %dma_wait3A_151 = arith.constant 0 : i32
      %dma_wait3A_152 = tpu.memref_slice %arg2[%dma_wait3A_150, %dma_wait3A_151] : memref<1000x32xf32, #tpu.memory_space<hbm>> -> memref<1000x32xf32, #tpu.memory_space<hbm>>
      tpu.wait_indirect_dma semaphore(%arg8 : memref<!tpu.dma_semaphore, #tpu.memory_space<semaphore_mem>>) src(%dma_wait3A_152 : memref<1000x32xf32, #tpu.memory_space<hbm>>) dst(%dma_wait3A_146 : memref<256x32xf32, #tpu.memory_space<vmem>>)
      %dma_wait3A_153 = arith.constant 512 : i32
      %dma_wait3A_154 = arith.constant 0 : i32
      %dma_wait3A_155 = tpu.memref_slice %arg6[%dma_wait3A_153, %dma_wait3A_154] : memref<1024x32xf32, #tpu.memory_space<vmem>> -> memref<256x32xf32, #tpu.memory_space<vmem>>
      %dma_wait3A_156 = arith.constant 0 : i32
      %dma_wait3A_157 = tpu.memref_slice %arg5[%add3A_43, %dma_wait3A_156] : memref<16x256xi32, #tpu.memory_space<vmem>> -> memref<1x256xi32, #tpu.memory_space<vmem>>
      %dma_wait3A_158 = tpu.memref_squeeze %dma_wait3A_157 : memref<1x256xi32, #tpu.memory_space<vmem>> -> memref<256xi32, #tpu.memory_space<vmem>>
      %dma_wait3A_159 = arith.constant 0 : i32
      %dma_wait3A_160 = arith.constant 0 : i32
      %dma_wait3A_161 = tpu.memref_slice %arg2[%dma_wait3A_159, %dma_wait3A_160] : memref<1000x32xf32, #tpu.memory_space<hbm>> -> memref<1000x32xf32, #tpu.memory_space<hbm>>
      tpu.wait_indirect_dma semaphore(%arg8 : memref<!tpu.dma_semaphore, #tpu.memory_space<semaphore_mem>>) src(%dma_wait3A_161 : memref<1000x32xf32, #tpu.memory_space<hbm>>) dst(%dma_wait3A_155 : memref<256x32xf32, #tpu.memory_space<vmem>>)
      %dma_wait3A_162 = arith.constant 768 : i32
      %dma_wait3A_163 = arith.constant 0 : i32
      %dma_wait3A_164 = tpu.memref_slice %arg6[%dma_wait3A_162, %dma_wait3A_163] : memref<1024x32xf32, #tpu.memory_space<vmem>> -> memref<256x32xf32, #tpu.memory_space<vmem>>
      %dma_wait3A_165 = arith.constant 0 : i32
      %dma_wait3A_166 = tpu.memref_slice %arg5[%add3A_58, %dma_wait3A_165] : memref<16x256xi32, #tpu.memory_space<vmem>> -> memref<1x256xi32, #tpu.memory_space<vmem>>
      %dma_wait3A_167 = tpu.memref_squeeze %dma_wait3A_166 : memref<1x256xi32, #tpu.memory_space<vmem>> -> memref<256xi32, #tpu.memory_space<vmem>>
      %dma_wait3A_168 = arith.constant 0 : i32
      %dma_wait3A_169 = arith.constant 0 : i32
      %dma_wait3A_170 = tpu.memref_slice %arg2[%dma_wait3A_168, %dma_wait3A_169] : memref<1000x32xf32, #tpu.memory_space<hbm>> -> memref<1000x32xf32, #tpu.memory_space<hbm>>
      tpu.wait_indirect_dma semaphore(%arg8 : memref<!tpu.dma_semaphore, #tpu.memory_space<semaphore_mem>>) src(%dma_wait3A_170 : memref<1000x32xf32, #tpu.memory_space<hbm>>) dst(%dma_wait3A_164 : memref<256x32xf32, #tpu.memory_space<vmem>>)
      %mul3A_171 = arith.constant 2 : i32
      %mul3A_172 = arith.muli %mul3A_171, %scan3A_8 : i32
      %mul3A_173 = arith.constant 4 : i32
      %mul3A_174 = arith.muli %mul3A_172, %mul3A_173 : i32
      %add3A_175 = arith.addi %mul3A_2, %mul3A_174 : i32
      %mul3A_176 = arith.constant 256 : i32
      %mul3A_177 = arith.muli %add3A_175, %mul3A_176 : i32
      %dma_start3A_178 = arith.constant 0 : i32
      %dma_start3A_179 = tpu.memref_slice %arg4[%mul3A_177, %dma_start3A_178] : memref<131072x32xf32, #tpu.memory_space<hbm>> -> memref<1024x32xf32, #tpu.memory_space<hbm>>
      %dma_start3A_180 = arith.constant 0 : i32
      %dma_start3A_181 = tpu.memref_slice %arg4[%mul3A_177, %dma_start3A_180] : memref<131072x32xf32, #tpu.memory_space<hbm>> -> memref<1024x32xf32, #tpu.memory_space<hbm>>
      tpu.enqueue_dma source(%arg6 : memref<1024x32xf32, #tpu.memory_space<vmem>>) target(%dma_start3A_181 : memref<1024x32xf32, #tpu.memory_space<hbm>>) target_semaphore(%arg10 : memref<!tpu.dma_semaphore, #tpu.memory_space<semaphore_mem>>)
      %dma_wait3A_182 = arith.constant 0 : i32
      %dma_wait3A_183 = arith.constant 0 : i32
      %dma_wait3A_184 = tpu.memref_slice %arg7[%dma_wait3A_182, %dma_wait3A_183] : memref<1024x32xf32, #tpu.memory_space<vmem>> -> memref<256x32xf32, #tpu.memory_space<vmem>>
      %dma_wait3A_185 = arith.constant 0 : i32
      %dma_wait3A_186 = tpu.memref_slice %arg5[%add3A_75, %dma_wait3A_185] : memref<16x256xi32, #tpu.memory_space<vmem>> -> memref<1x256xi32, #tpu.memory_space<vmem>>
      %dma_wait3A_187 = tpu.memref_squeeze %dma_wait3A_186 : memref<1x256xi32, #tpu.memory_space<vmem>> -> memref<256xi32, #tpu.memory_space<vmem>>
      %dma_wait3A_188 = arith.constant 0 : i32
      %dma_wait3A_189 = arith.constant 0 : i32
      %dma_wait3A_190 = tpu.memref_slice %arg2[%dma_wait3A_188, %dma_wait3A_189] : memref<1000x32xf32, #tpu.memory_space<hbm>> -> memref<1000x32xf32, #tpu.memory_space<hbm>>
      tpu.wait_indirect_dma semaphore(%arg9 : memref<!tpu.dma_semaphore, #tpu.memory_space<semaphore_mem>>) src(%dma_wait3A_190 : memref<1000x32xf32, #tpu.memory_space<hbm>>) dst(%dma_wait3A_184 : memref<256x32xf32, #tpu.memory_space<vmem>>)
      %dma_wait3A_191 = arith.constant 256 : i32
      %dma_wait3A_192 = arith.constant 0 : i32
      %dma_wait3A_193 = tpu.memref_slice %arg7[%dma_wait3A_191, %dma_wait3A_192] : memref<1024x32xf32, #tpu.memory_space<vmem>> -> memref<256x32xf32, #tpu.memory_space<vmem>>
      %dma_wait3A_194 = arith.constant 0 : i32
      %dma_wait3A_195 = tpu.memref_slice %arg5[%add3A_92, %dma_wait3A_194] : memref<16x256xi32, #tpu.memory_space<vmem>> -> memref<1x256xi32, #tpu.memory_space<vmem>>
      %dma_wait3A_196 = tpu.memref_squeeze %dma_wait3A_195 : memref<1x256xi32, #tpu.memory_space<vmem>> -> memref<256xi32, #tpu.memory_space<vmem>>
      %dma_wait3A_197 = arith.constant 0 : i32
      %dma_wait3A_198 = arith.constant 0 : i32
      %dma_wait3A_199 = tpu.memref_slice %arg2[%dma_wait3A_197, %dma_wait3A_198] : memref<1000x32xf32, #tpu.memory_space<hbm>> -> memref<1000x32xf32, #tpu.memory_space<hbm>>
      tpu.wait_indirect_dma semaphore(%arg9 : memref<!tpu.dma_semaphore, #tpu.memory_space<semaphore_mem>>) src(%dma_wait3A_199 : memref<1000x32xf32, #tpu.memory_space<hbm>>) dst(%dma_wait3A_193 : memref<256x32xf32, #tpu.memory_space<vmem>>)
      %dma_wait3A_200 = arith.constant 512 : i32
      %dma_wait3A_201 = arith.constant 0 : i32
      %dma_wait3A_202 = tpu.memref_slice %arg7[%dma_wait3A_200, %dma_wait3A_201] : memref<1024x32xf32, #tpu.memory_space<vmem>> -> memref<256x32xf32, #tpu.memory_space<vmem>>
      %dma_wait3A_203 = arith.constant 0 : i32
      %dma_wait3A_204 = tpu.memref_slice %arg5[%add3A_109, %dma_wait3A_203] : memref<16x256xi32, #tpu.memory_space<vmem>> -> memref<1x256xi32, #tpu.memory_space<vmem>>
      %dma_wait3A_205 = tpu.memref_squeeze %dma_wait3A_204 : memref<1x256xi32, #tpu.memory_space<vmem>> -> memref<256xi32, #tpu.memory_space<vmem>>
      %dma_wait3A_206 = arith.constant 0 : i32
      %dma_wait3A_207 = arith.constant 0 : i32
      %dma_wait3A_208 = tpu.memref_slice %arg2[%dma_wait3A_206, %dma_wait3A_207] : memref<1000x32xf32, #tpu.memory_space<hbm>> -> memref<1000x32xf32, #tpu.memory_space<hbm>>
      tpu.wait_indirect_dma semaphore(%arg9 : memref<!tpu.dma_semaphore, #tpu.memory_space<semaphore_mem>>) src(%dma_wait3A_208 : memref<1000x32xf32, #tpu.memory_space<hbm>>) dst(%dma_wait3A_202 : memref<256x32xf32, #tpu.memory_space<vmem>>)
      %dma_wait3A_209 = arith.constant 768 : i32
      %dma_wait3A_210 = arith.constant 0 : i32
      %dma_wait3A_211 = tpu.memref_slice %arg7[%dma_wait3A_209, %dma_wait3A_210] : memref<1024x32xf32, #tpu.memory_space<vmem>> -> memref<256x32xf32, #tpu.memory_space<vmem>>
      %dma_wait3A_212 = arith.constant 0 : i32
      %dma_wait3A_213 = tpu.memref_slice %arg5[%add3A_126, %dma_wait3A_212] : memref<16x256xi32, #tpu.memory_space<vmem>> -> memref<1x256xi32, #tpu.memory_space<vmem>>
      %dma_wait3A_214 = tpu.memref_squeeze %dma_wait3A_213 : memref<1x256xi32, #tpu.memory_space<vmem>> -> memref<256xi32, #tpu.memory_space<vmem>>
      %dma_wait3A_215 = arith.constant 0 : i32
      %dma_wait3A_216 = arith.constant 0 : i32
      %dma_wait3A_217 = tpu.memref_slice %arg2[%dma_wait3A_215, %dma_wait3A_216] : memref<1000x32xf32, #tpu.memory_space<hbm>> -> memref<1000x32xf32, #tpu.memory_space<hbm>>
      tpu.wait_indirect_dma semaphore(%arg9 : memref<!tpu.dma_semaphore, #tpu.memory_space<semaphore_mem>>) src(%dma_wait3A_217 : memref<1000x32xf32, #tpu.memory_space<hbm>>) dst(%dma_wait3A_211 : memref<256x32xf32, #tpu.memory_space<vmem>>)
      %mul3A_218 = arith.constant 2 : i32
      %mul3A_219 = arith.muli %mul3A_218, %scan3A_8 : i32
      %add3A_220 = arith.constant 1 : i32
      %add3A_221 = arith.addi %mul3A_219, %add3A_220 : i32
      %mul3A_222 = arith.constant 4 : i32
      %mul3A_223 = arith.muli %add3A_221, %mul3A_222 : i32
      %add3A_224 = arith.addi %mul3A_2, %mul3A_223 : i32
      %mul3A_225 = arith.constant 256 : i32
      %mul3A_226 = arith.muli %add3A_224, %mul3A_225 : i32
      %dma_start3A_227 = arith.constant 0 : i32
      %dma_start3A_228 = tpu.memref_slice %arg4[%mul3A_226, %dma_start3A_227] : memref<131072x32xf32, #tpu.memory_space<hbm>> -> memref<1024x32xf32, #tpu.memory_space<hbm>>
      %dma_start3A_229 = arith.constant 0 : i32
      %dma_start3A_230 = tpu.memref_slice %arg4[%mul3A_226, %dma_start3A_229] : memref<131072x32xf32, #tpu.memory_space<hbm>> -> memref<1024x32xf32, #tpu.memory_space<hbm>>
      tpu.enqueue_dma source(%arg7 : memref<1024x32xf32, #tpu.memory_space<vmem>>) target(%dma_start3A_230 : memref<1024x32xf32, #tpu.memory_space<hbm>>) target_semaphore(%arg10 : memref<!tpu.dma_semaphore, #tpu.memory_space<semaphore_mem>>)
      %dma_wait3A_231 = arith.constant 0 : i32
      %dma_wait3A_232 = tpu.memref_slice %arg4[%mul3A_177, %dma_wait3A_231] : memref<131072x32xf32, #tpu.memory_space<hbm>> -> memref<1024x32xf32, #tpu.memory_space<hbm>>
      %dma_wait3A_233 = arith.constant 0 : i32
      %dma_wait3A_234 = tpu.memref_slice %arg4[%mul3A_177, %dma_wait3A_233] : memref<131072x32xf32, #tpu.memory_space<hbm>> -> memref<1024x32xf32, #tpu.memory_space<hbm>>
      tpu.wait_dma2 semaphore(%arg10 : memref<!tpu.dma_semaphore, #tpu.memory_space<semaphore_mem>>) src(%arg6 : memref<1024x32xf32, #tpu.memory_space<vmem>>) dst(%dma_wait3A_234 : memref<1024x32xf32, #tpu.memory_space<hbm>>)
      %dma_wait3A_235 = arith.constant 0 : i32
      %dma_wait3A_236 = tpu.memref_slice %arg4[%mul3A_226, %dma_wait3A_235] : memref<131072x32xf32, #tpu.memory_space<hbm>> -> memref<1024x32xf32, #tpu.memory_space<hbm>>
      %dma_wait3A_237 = arith.constant 0 : i32
      %dma_wait3A_238 = tpu.memref_slice %arg4[%mul3A_226, %dma_wait3A_237] : memref<131072x32xf32, #tpu.memory_space<hbm>> -> memref<1024x32xf32, #tpu.memory_space<hbm>>
      tpu.wait_dma2 semaphore(%arg10 : memref<!tpu.dma_semaphore, #tpu.memory_space<semaphore_mem>>) src(%arg7 : memref<1024x32xf32, #tpu.memory_space<vmem>>) dst(%dma_wait3A_238 : memref<1024x32xf32, #tpu.memory_space<hbm>>)
    }
    %scan3A_7 = arith.constant 2 : i32
    return
  }
}

module attributes {stable_mosaic.version = 14 : i64} {
  func.func @body(%arg0: i32, %arg1: memref<4096x32xf32, #tpu.memory_space<vmem>>, %arg2: memref<8x32xf32, #tpu.memory_space<vmem>>, %arg3: memref<32x1000xf32, #tpu.memory_space<vmem>>, %arg4: memref<1x1000xf32, #tpu.memory_space<vmem>>, %arg5: memref<4096x1xi32, #tpu.memory_space<vmem>>, %arg6: memref<4096x1000xf32, #tpu.memory_space<vmem>>, %arg7: memref<1x1xf32, #tpu.memory_space<vmem>>) attributes {dimension_semantics = [#tpu.dimension_semantics<arbitrary>], iteration_bounds = array<i64: 32>, scalar_prefetch = 0 : i64, scratch_operands = 0 : i64, tpu.core_type = #tpu.core_type<tc>, window_params = [{transform_indices = @transform_0, window_bounds = array<i64: 4096, 32>}, {pipeline_mode = #tpu.pipeline_mode<synchronous>, transform_indices = @transform_1, window_bounds = array<i64: 8, 32>}, {pipeline_mode = #tpu.pipeline_mode<synchronous>, transform_indices = @transform_2, window_bounds = array<i64: 32, 1000>}, {pipeline_mode = #tpu.pipeline_mode<synchronous>, transform_indices = @transform_3, window_bounds = array<i64: 1, 1000>}, {transform_indices = @transform_4, window_bounds = array<i64: 4096, 1>}, {transform_indices = @transform_5, window_bounds = array<i64: 4096, 1000>}, {pipeline_mode = #tpu.pipeline_mode<synchronous>, transform_indices = @transform_6, window_bounds = array<i64: 1, 1>}]} {
    %get3A = arith.constant 0 : index
    %get3A_0 = arith.constant 0 : index
    %get3A_1 = vector.load %arg3[%get3A, %get3A_0] : memref<32x1000xf32, #tpu.memory_space<vmem>>, vector<32x1000xf32>
    %get3A_2 = arith.constant 0 : index
    %get3A_3 = arith.constant 0 : index
    %get3A_4 = vector.load %arg1[%get3A_2, %get3A_3] : memref<4096x32xf32, #tpu.memory_space<vmem>>, vector<4096x32xf32>
    %dot_general3A = arith.constant dense<0.000000e+00> : vector<4096x1000xf32>
    %dot_general3A_5 = tpu.matmul %get3A_4, %get3A_1, %dot_general3A {dimension_numbers = #tpu.dot_dimension_numbers<[1], [0], [0], [1], [0, 0, 1, 1], [], []>, transpose_lhs_hint = false} : vector<4096x32xf32>, vector<32x1000xf32>, vector<4096x1000xf32> -> vector<4096x1000xf32>
    %get3A_6 = arith.constant 0 : index
    %get3A_7 = arith.constant 0 : index
    %get3A_8 = vector.load %arg2[%get3A_6, %get3A_7] : memref<8x32xf32, #tpu.memory_space<vmem>>, vector<8x32xf32>
    %dot_general3A_9 = arith.constant dense<0.000000e+00> : vector<8x1000xf32>
    %dot_general3A_10 = tpu.matmul %get3A_8, %get3A_1, %dot_general3A_9 {dimension_numbers = #tpu.dot_dimension_numbers<[1], [0], [0], [1], [0, 0, 1, 1], [], []>, transpose_lhs_hint = false} : vector<8x32xf32>, vector<32x1000xf32>, vector<8x1000xf32> -> vector<8x1000xf32>
    %get3A_11 = arith.constant 0 : index
    %get3A_12 = arith.constant 0 : index
    %get3A_13 = vector.load %arg4[%get3A_11, %get3A_12] : memref<1x1000xf32, #tpu.memory_space<vmem>>, vector<1x1000xf32>
    %add3A = vector.broadcast %get3A_13 : vector<1x1000xf32> to vector<8x1000xf32>
    %add3A_14 = arith.addf %dot_general3A_10, %add3A : vector<8x1000xf32>
    %broadcast_in_dim3A = vector.shape_cast %add3A_14 : vector<8x1000xf32> to vector<1x8x1000xf32>
    %broadcast_in_dim3A_15 = vector.shape_cast %broadcast_in_dim3A : vector<1x8x1000xf32> to vector<1x8x1000xf32>
    %broadcast_in_dim3A_16 = vector.broadcast %broadcast_in_dim3A_15 : vector<1x8x1000xf32> to vector<512x8x1000xf32>
    %reshape3A = vector.shape_cast %broadcast_in_dim3A_16 : vector<512x8x1000xf32> to vector<4096x1000xf32>
    %add3A_17 = arith.addf %dot_general3A_5, %reshape3A : vector<4096x1000xf32>
    %swap3A = arith.constant 0 : index
    %swap3A_18 = arith.constant 0 : index
    %swap3A_19 = vector.load %arg6[%swap3A, %swap3A_18] : memref<4096x1000xf32, #tpu.memory_space<vmem>>, vector<4096x1000xf32>
    tpu.vector_store %arg6[%swap3A, %swap3A_18], %add3A_17 {strides = array<i32>} : memref<4096x1000xf32, #tpu.memory_space<vmem>>, vector<4096x1000xf32>,
    %reduce_max3A = arith.constant dense<0xFF800000> : vector<4096xf32>
    %reduce_max3A_20 = vector.multi_reduction <maximumf>, %add3A_17, %reduce_max3A [1] : vector<4096x1000xf32> to vector<4096xf32>
    %broadcast_in_dim3A_21 = vector.shape_cast %reduce_max3A_20 : vector<4096xf32> to vector<4096x1xf32>
    %sub3A = vector.broadcast %broadcast_in_dim3A_21 : vector<4096x1xf32> to vector<4096x1000xf32>
    %sub3A_22 = arith.subf %add3A_17, %sub3A : vector<4096x1000xf32>
    %exp3A = math.exp %sub3A_22 : vector<4096x1000xf32>
    %reduce_sum3A = arith.constant dense<0.000000e+00> : vector<4096xf32>
    %reduce_sum3A_23 = vector.multi_reduction <add>, %exp3A, %reduce_sum3A [1] : vector<4096x1000xf32> to vector<4096xf32>
    %broadcast_in_dim3A_24 = vector.shape_cast %reduce_sum3A_23 : vector<4096xf32> to vector<4096x1xf32>
    %log3A = math.log %broadcast_in_dim3A_24 : vector<4096x1xf32>
    %add3A_25 = arith.addf %broadcast_in_dim3A_21, %log3A : vector<4096x1xf32>
    %iota3A = tpu.iota {dimensions = array<i32: 1>} : vector<4096x1000xi32>
    %get3A_26 = arith.constant 0 : index
    %get3A_27 = arith.constant 0 : index
    %get3A_28 = vector.load %arg5[%get3A_26, %get3A_27] : memref<4096x1xi32, #tpu.memory_space<vmem>>, vector<4096x1xi32>
    %eq3A = vector.broadcast %get3A_28 : vector<4096x1xi32> to vector<4096x1000xi32>
    %eq3A_29 = arith.cmpi eq, %iota3A, %eq3A : vector<4096x1000xi32>
    %jit3A = arith.constant 0.000000e+00 : f32
    %broadcast_in_dim3A_30 = vector.broadcast %jit3A : f32 to vector<4096x1000xf32>
    %select_n3A = arith.select %eq3A_29, %add3A_17, %broadcast_in_dim3A_30 : vector<4096x1000xi1>, vector<4096x1000xf32>
    %reduce_sum3A_31 = arith.constant dense<0.000000e+00> : vector<4096xf32>
    %reduce_sum3A_32 = vector.multi_reduction <add>, %select_n3A, %reduce_sum3A_31 [1] : vector<4096x1000xf32> to vector<4096xf32>
    %broadcast_in_dim3A_33 = vector.shape_cast %reduce_sum3A_32 : vector<4096xf32> to vector<4096x1xf32>
    %sub3A_34 = arith.subf %add3A_25, %broadcast_in_dim3A_33 : vector<4096x1xf32>
    %reduce_sum3A_35 = vector.shape_cast %sub3A_34 : vector<4096x1xf32> to vector<1x4096x1xf32>
    %reduce_sum3A_36 = arith.constant dense<0.000000e+00> : vector<1xf32>
    %reduce_sum3A_37 = vector.multi_reduction <add>, %reduce_sum3A_35, %reduce_sum3A_36 [1, 2] : vector<1x4096x1xf32> to vector<1xf32>
    %reduce_sum3A_38 = vector.shape_cast %reduce_sum3A_37 : vector<1xf32> to vector<1x1x1xf32>
    %reduce_sum3A_39 = vector.extract %reduce_sum3A_38[0, 0, 0] : f32 from vector<1x1x1xf32>
    %reshape3A_40 = vector.broadcast %reduce_sum3A_39 : f32 to vector<1x1xf32>
    %eq3A_41 = arith.constant 0 : i32
    %eq3A_42 = arith.cmpi eq, %arg0, %eq3A_41 : i32
    %convert_element_type3A = arith.extui %eq3A_42 : i1 to i32
    %cond3A = arith.constant 0 : i32
    %cond3A_43 = arith.cmpi ne, %convert_element_type3A, %cond3A : i32
    scf.if %cond3A_43 {
      %broadcast_in_dim3A_51 = arith.constant 0.000000e+00 : f32
      %broadcast_in_dim3A_52 = vector.broadcast %broadcast_in_dim3A_51 : f32 to vector<1x1xf32>
      %swap3A_53 = arith.constant 0 : index
      %swap3A_54 = arith.constant 0 : index
      %swap3A_55 = vector.load %arg7[%swap3A_53, %swap3A_54] : memref<1x1xf32, #tpu.memory_space<vmem>>, vector<1x1xf32>
      tpu.vector_store %arg7[%swap3A_53, %swap3A_54], %broadcast_in_dim3A_52 {strides = array<i32>} : memref<1x1xf32, #tpu.memory_space<vmem>>, vector<1x1xf32>,
    } else {
    }
    %get3A_44 = arith.constant 0 : index
    %get3A_45 = arith.constant 0 : index
    %get3A_46 = vector.load %arg7[%get3A_44, %get3A_45] : memref<1x1xf32, #tpu.memory_space<vmem>>, vector<1x1xf32>
    %add3A_47 = arith.addf %get3A_46, %reshape3A_40 : vector<1x1xf32>
    %swap3A_48 = arith.constant 0 : index
    %swap3A_49 = arith.constant 0 : index
    %swap3A_50 = vector.load %arg7[%swap3A_48, %swap3A_49] : memref<1x1xf32, #tpu.memory_space<vmem>>, vector<1x1xf32>
    tpu.vector_store %arg7[%swap3A_48, %swap3A_49], %add3A_47 {strides = array<i32>} : memref<1x1xf32, #tpu.memory_space<vmem>>, vector<1x1xf32>,
    return
  }
  func.func @transform_0(%arg0: i32) -> (i32, i32) {
    %c0_i32 = arith.constant 0 : i32
    %c0_i32_0 = arith.constant 0 : i32
    return %arg0, %c0_i32 : i32, i32
  }
  func.func @transform_1(%arg0: i32) -> (i32, i32) {
    %c0_i32 = arith.constant 0 : i32
    %c0_i32_0 = arith.constant 0 : i32
    %c0_i32_1 = arith.constant 0 : i32
    return %c0_i32, %c0_i32_0 : i32, i32
  }
  func.func @transform_2(%arg0: i32) -> (i32, i32) {
    %c0_i32 = arith.constant 0 : i32
    %c0_i32_0 = arith.constant 0 : i32
    %c0_i32_1 = arith.constant 0 : i32
    return %c0_i32, %c0_i32_0 : i32, i32
  }
  func.func @transform_3(%arg0: i32) -> (i32, i32) {
    %c0_i32 = arith.constant 0 : i32
    %c0_i32_0 = arith.constant 0 : i32
    %c0_i32_1 = arith.constant 0 : i32
    return %c0_i32, %c0_i32_0 : i32, i32
  }
  func.func @transform_4(%arg0: i32) -> (i32, i32) {
    %c0_i32 = arith.constant 0 : i32
    %c0_i32_0 = arith.constant 0 : i32
    return %arg0, %c0_i32 : i32, i32
  }
  func.func @transform_5(%arg0: i32) -> (i32, i32) {
    %c0_i32 = arith.constant 0 : i32
    %c0_i32_0 = arith.constant 0 : i32
    return %arg0, %c0_i32 : i32, i32
  }
  func.func @transform_6(%arg0: i32) -> (i32, i32) {
    %c0_i32 = arith.constant 0 : i32
    %c0_i32_0 = arith.constant 0 : i32
    %c0_i32_1 = arith.constant 0 : i32
    return %c0_i32, %c0_i32_0 : i32, i32
  }
}

</mosaic_0001>

<sc_bundles>
// kernel: kernel.4.cloned.1.call-start
scs
__scs_entry_jumppad:
0x0: {  	(pc) =	sbr.rel $0x88, $3  }
0x1: {  	(tag) =	ssettag $0x0;
	lr =	simm.s32 $0x1  }
0x2: {  	[smem:$0x3F9B] =	sst lr;
	_ =	strace $0xD0000000  }
0x3: {  	_ = 	snop  }
0x4: {  	_ = 	snop  }
0x5: {  	_ = 	snop  }
0x6: {  	_ = 	snop  }
0x7: {  	_ = 	snop  }
__scs_overlays_trampoline_lowered:
0x8: {  	[smem:$0x3FAA] =	sst s0  }
0x9: {  	[smem:$0x3FAB] =	sst s1  }
0xa: {  	[smem:$0x3FAC] =	sst s2  }
0xb: {  	[smem:$0x3FAD] =	sst s3  }
0xc: {  	[smem:$0x3FAE] =	sst s4  }
0xd: {  	[smem:$0x3FAF] =	sst s5  }
0xe: {  	[smem:$0x3FB0] =	sst s6  }
0xf: {  	[smem:$0x3FB1] =	sst s7  }
0x10: {  	[smem:$0x3FB2] =	sst s8  }
0x11: {  	[smem:$0x3FB3] =	sst s9;
	s0 =	simm.s32 @!p0 $0x0  }
0x12: {  	s1 =	sld [smem:$0x3F99];
	s0 =	simm.s32 @p0 $0x1  }
0x13: {  	[smem:$0x3FB4] =	sst s0;
	s0 =	simm.s32 @!p1 $0x0  }
0x14: {  	s2 =	sld [smem:$0x3F98];
	s0 =	simm.s32 @p1 $0x1  }
0x15: {  	[smem:$0x3FB5] =	sst s0;
	s0 =	simm.s32 @!p2 $0x0  }
0x16: {  	s3 =	sld [smem:$0x3FDB];
	s0 =	simm.s32 @p2 $0x1  }
0x17: {  	s4 =	simm.s32 $0x1BF5;
	[smem:$0x3FB7] =	sst s0  }
0x18: {  	s0 =	sld [smem:$0x3F9A];
	_ =	swait.ge [sflag:s4], $0x0  }
0x19: {  	s7 =	sld [smem:$0x3F9B]  }
0x1a: {  	s8 =	sadd.s32 $0xFFFFE003, lr  }
0x1b: {  	s9 =	sadd.s32 $0xFFFFFEF7, lr;
	s5 =	simm.s32 $0xFFFFFFFF;
	p2 =	slt.u32 s8, $0xFFFFF086  }
0x1c: {  	p1 =	slt.u32 s9, $0xF7A;
	s5 =	simm.s32 @!p2 $0x0  }
0x1d: {  	s5 =	simm.s32 @p1 $0x1;
	p0 =	seq.s32 s7, s2  }
0x1e: {  	s7 =	smul.u32 @!p0 $0xF7A, s2;
	p2 =	seq.s32 @!p0 s5, $0x0  }
0x1f: {  	s9 =	smul.u32 $0xF7A, s1;
	s8 =	simm.s32 @!p0 $0x1BF5;
	p2 =	por !p2, p0  }
0x20: {  	[sflag:s8] =	ssyncset.s32 @!p0 $0xFFFFF086;
	s6 =	sadd.s32 @!p0 s3, s7;
	s7 =	simm.s32 @!p0 $0x108  }
0x21: {  	s3 =	sadd.s32 s3, s9;
	s6 =	sadd.s32 @!p0 $0x88, s6;
	s7 =	simm.s32 @p2 $0x1082  }
0x22: {  	[simem:s7], [sflag:s8] =	dma.local @!p0 [hbm:s6], $0xF7A  }
0x23: {  	s9 =	sor.u32 $0xD0000000, s2;
	s6 =	simm.s32 $0x108;
	_ =	swait.ge @!p0 [sflag:s8], $0x0  }
0x24: {  	s3 =	sadd.s32 $0x88, s3;
	s6 =	simm.s32 @!p1 $0x1082;
	[sflag:s4] =	ssyncset.s32 $0xFFFFF086  }
0x25: {  	[simem:s6], [sflag:s4] =	dma.local [hbm:s3], $0xF7A  }
0x26: {  	[smem:$0x3F9B] =	sst s1;
	(tag) =	ssettag s2;
	_ =	strace s9  }
0x27: {  	s1 =	sld [smem:$0x3FAB]  }
0x28: {  	s2 =	sld [smem:$0x3FAC]  }
0x29: {  	s4 =	sld [smem:$0x3FAE]  }
0x2a: {  	p0 =	seq.s32 s5, $0x0;
	s5 =	sld [smem:$0x3FAF]  }
0x2b: {  	s6 =	sld [smem:$0x3FB0]  }
0x2c: {  	s7 =	sld [smem:$0x3FB1]  }
0x2d: {  	s3 =	simm.s32 $0x108;
	s8 =	sld [smem:$0x3FB2]  }
0x2e: {  	s3 =	simm.s32 @!p0 $0x1082;
	s9 =	sld [smem:$0x3FB3]  }
0x2f: {  	lr =	sadd.s32 s0, s3;
	s0 =	sld [smem:$0x3FAA]  }
0x30: {  	s3 =	sld [smem:$0x3FAD]  }
0x31: {  	[smem:$0x3FB6] =	sst s10  }
0x32: {  	s10 =	sld [smem:$0x3FB4];
	_ =	sdelay $0x3  }
0x33: {  	p0 =	seq.s32 s10, $0x1;
	s10 =	sld [smem:$0x3FB6];
	_ =	sdelay $0x3  }
0x34: {  	[smem:$0x3FB6] =	sst s10  }
0x35: {  	s10 =	sld [smem:$0x3FB5];
	_ =	sdelay $0x3  }
0x36: {  	p1 =	seq.s32 s10, $0x1;
	s10 =	sld [smem:$0x3FB6];
	_ =	sdelay $0x3  }
0x37: {  	[smem:$0x3FB6] =	sst s10  }
0x38: {  	s10 =	sld [smem:$0x3FB7]  }
0x39: {  	_ = 	snop;
	(pc) =	sbr.ind lr, $3  }
0x3a: {  	_ = 	snop  }
0x3b: {  	_ = 	snop  }
0x3c: {  	p2 =	seq.s32 s10, $0x1;
	s10 =	sld [smem:$0x3FB6]  }
0x3d: {  	_ =	shalt  }
0x3e: {  	_ =	shalt  }
0x3f: {  	_ =	shalt  }
0x40: {  	_ =	shalt  }
0x41: {  	_ =	shalt  }
0x42: {  	_ =	shalt  }
0x43: {  	_ =	shalt  }
0x44: {  	_ =	shalt  }
0x45: {  	_ =	shalt  }
0x46: {  	_ =	shalt  }
0x47: {  	_ =	shalt  }
0x48: {  	_ =	shalt  }
0x49: {  	_ =	shalt  }
0x4a: {  	_ =	shalt  }
0x4b: {  	_ =	shalt  }
0x4c: {  	_ =	shalt  }
0x4d: {  	_ =	shalt  }
0x4e: {  	_ =	shalt  }
0x4f: {  	_ =	shalt  }
0x50: {  	_ =	shalt  }
0x51: {  	_ =	shalt  }
0x52: {  	_ =	shalt  }
0x53: {  	_ =	shalt  }
0x54: {  	_ =	shalt  }
0x55: {  	_ =	shalt  }
0x56: {  	_ =	shalt  }
0x57: {  	_ =	shalt  }
0x58: {  	_ =	shalt  }
0x59: {  	_ =	shalt  }
0x5a: {  	_ =	shalt  }
0x5b: {  	_ =	shalt  }
0x5c: {  	_ =	shalt  }
0x5d: {  	_ =	shalt  }
0x5e: {  	_ =	shalt  }
0x5f: {  	_ =	shalt  }
0x60: {  	_ =	shalt  }
0x61: {  	_ =	shalt  }
0x62: {  	_ =	shalt  }
0x63: {  	_ =	shalt  }
0x64: {  	_ =	shalt  }
0x65: {  	_ =	shalt  }
0x66: {  	_ =	shalt  }
0x67: {  	_ =	shalt  }
0x68: {  	_ =	shalt  }
0x69: {  	_ =	shalt  }
0x6a: {  	_ =	shalt  }
0x6b: {  	_ =	shalt  }
0x6c: {  	_ =	shalt  }
0x6d: {  	_ =	shalt  }
0x6e: {  	_ =	shalt  }
0x6f: {  	_ =	shalt  }
0x70: {  	_ =	shalt  }
0x71: {  	_ =	shalt  }
0x72: {  	_ =	shalt  }
0x73: {  	_ =	shalt  }
0x74: {  	_ =	shalt  }
0x75: {  	_ =	shalt  }
0x76: {  	_ =	shalt  }
0x77: {  	_ =	shalt  }
0x78: {  	_ =	shalt  }
0x79: {  	_ =	shalt  }
0x7a: {  	_ =	shalt  }
0x7b: {  	_ =	shalt  }
0x7c: {  	_ =	shalt  }
0x7d: {  	_ =	shalt  }
0x7e: {  	_ =	shalt  }
0x7f: {  	_ =	shalt  }
0x80: {  	_ =	shalt  }
0x81: {  	_ =	shalt  }
0x82: {  	_ =	shalt  }
0x83: {  	_ =	shalt  }
0x84: {  	_ =	shalt  }
0x85: {  	_ =	shalt  }
0x86: {  	_ =	shalt  }
0x87: {  	_ =	shalt  }
.Lfunc_end0:
.L_simem_size_0:
called_computation_lowered:
.L_overlay_start_0:
0x88: {  	s2 =	sld [smem:$0x3FD9]  }
0x89: {  	s3 =	sld [smem:$0x3FFE];
	_ =	sdelay $0x1  }
0x8a: {  	s1 =	srdreg.scid  }
0x8b: {  	s0 =	sand.u32 $0x1, s1  }
0x8c: {  	s14 =	sshll.u32 s0, $0xA;
	s2 =	sadd.s32 s3, s2  }
0x8d: {  	s2 =	sadd.s32 s2, s14  }
0x8e: {  	[smem:$0x3FC2] =	sst s2  }
0x8f: {  	_ = 	snop  }
0x90: {  	s2 =	sld [smem:$0x3FD0];
	_ =	sdelay $0x2  }
0x91: {  	s15 =	simm.s32 $0xA;
	s4 =	simm.s32 $0x10  }
0x92: {  	[smem:s4], [sflag:s15] =	dma.local [hbm:s2], $0x1  }
0x93: {  	_ =	swait.eq [sflag:s15], $0x1  }
0x94: {  	[sflag:s15] =	ssyncset.done $0x0  }
0x95: {  	[sflag:s15] =	ssyncadd.s32 $0xFFFFFFFF  }
0x96: {  	s16 =	sld [smem:$0x10];
	(tm) =	ssettm $0x1  }
0x97: {  	s17 =	sld [smem:$0x3FFB];
	_ =	sdelay $0x3  }
0x98: {  	_ =	strace s17  }
0x99: {  	s3 =	sld [smem:$0x3FFC];
	_ =	sdelay $0x3  }
0x9a: {  	_ =	strace s3  }
0x9b: {  	s3 =	sld [smem:$0x3FFD];
	_ =	sdelay $0x3  }
0x9c: {  	_ =	strace s3  }
0x9d: {  	_ =	strace $0x8FFFFFFF  }
0x9e: {  	s18 =	sld [smem:$0x3FDB];
	_ =	sdelay $0x1  }
0x9f: {  	s19 =	simm.s32 $_scs_section_size  }
0xa0: {  	s5 =	simm.s32 $_size__tile_overlayer_lowered;
	s6 =	simm.s32 $_tile_overlayer_lowered  }
0xa1: {  	s22 =	simm.s32 $0x1BFF;
	s21 =	sshll.u32 s6, $0x1;
	s3 =	sadd.s32 s19, s18  }
0xa2: {  	s7 =	simm.s32 $0x0;
	s20 =	sshll.u32 s5, $0x1;
	s5 =	sadd.s32 s21, s3  }
0xa3: {  	[timem:s7], [sflag:s22] =	dma.local [hbm:s5], s20  }
0xa4: {  	_ =	swait.ge [sflag:s22], s20  }
0xa5: {  	s4 =	ssub.s32 $0x0, s20;
	[sflag:s22] =	ssyncset.done $0x0  }
0xa6: {  	[sflag:s22] =	ssyncadd.s32 s4;
	_ =	sdelay $0x1  }
0xa7: {  	s23 =	simm.s32 $0x1B8B  }
0xa8: {  	_ =	swait.ge [sflag:s23], $0x1  }
0xa9: {  	[sflag:s23] =	ssyncset.done $0x0  }
0xaa: {  	s25 =	simm.s32 $0x1B8E;
	s24 =	sld [smem:$0x3FFE];
	[sflag:s23] =	ssyncadd.s32 $0xFFFFFFFF  }
0xab: {  	s26 =	simm.s32 $execute0_lowered;
	[smem:$0x3FD2] =	sst s25  }
0xac: {  	s5 =	sshll.u32 s26, $0x1;
	_ =	strace $0x80000046;
	[dreg:$0x1] =	wrdreg $0xFFFFFFFF  }
0xad: {  	s28 =	simm.s32 $_size_execute0_lowered;
	s3 =	sadd.s32 s3, s5;
	[dreg:$0x0] =	wrdreg $0x0  }
0xae: {  	s5 =	sshll.u32 s28, $0x1;
	[dreg:$0x2] =	wrdreg s3  }
0xaf: {  	[dreg:$0x3] =	wrdreg s5  }
0xb0: {  	[dreg:$0x4] =	wrdreg $0xC0  }
0xb1: {  	_ =	task [dreg:s7], $0x5FFFF  }
0xb2: {  	[dreg:$0x1] =	wrdreg $0xFFFFFFFF  }
0xb3: {  	[dreg:$0x0] =	wrdreg $0x60  }
0xb4: {  	[dreg:$0x2] =	wrdreg s24  }
0xb5: {  	[dreg:$0x3] =	wrdreg s16  }
0xb6: {  	[dreg:$0x4] =	wrdreg $0x9  }
0xb7: {  	_ =	task.clear_ibuf [dreg:s7], $0x5FFFF;
	_ =	strace $0x90000046  }
0xb8: {  	s29 =	simm.s32 $0x9;
	_ =	strace $0x80000048  }
0xb9: {  	_ =	swait.ge [sflag:s29], $0x1  }
0xba: {  	[sflag:s29] =	ssyncadd.s32 $0xFFFFFFFF  }
0xbb: {  	_ =	strace $0x90000048  }
0xbc: {  	_ =	sfence  }
0xbd: {  	s30 =	sld [smem:$0x0];
	_ =	sdelay $0x2  }
0xbe: {  	s31 =	sshll.u32 s1, $0xD;
	s1 =	sshrl.u32 s1, $0x2  }
0xbf: {  	s3 =	sand.u32 $0x4000, s31;
	s1 =	sadd.s32 s1, s30  }
0xc0: {  	s0 =	sor.u32 s3, s0;
	s1 =	sshll.u32 s1, $0x11  }
0xc1: {  	s0 =	sor.u32 s1, s0  }
0xc2: {  	s0 =	sadd.s32 $0x8F2B, s0  }
0xc3: {  	[sflag:s0] =	ssyncadd.remote.s32 $0x1  }
0xc4: {  	_ =	sfence.sel $0xFFFF  }
0xc5: {  	[dreg:$0x0] =	wrdreg $0xFFFFFFFF;
	(pc) =	sbr.abs _section_cstart, $3  }
0xc6: {  	[dreg:$0x1] =	wrdreg $0xFFFFFFFF  }
0xc7: {  	_ =	task.clear_ibuf [dreg:s7], $0x2FFFF;
	_ =	strace $0x9FFFFFFF  }
0xc8: {  	(tm) =	ssettm $0x7FFFFFFF  }
0xc9: {  	_ =	shalt  }
tec
execute0_lowered:
.L_overlay_start_1:
0x0: {  	(tag) =	ssettag $0x1  }
0x1: {  	s0 =	srdreg.scid;
	s1 =	rddreg [dreg:$0x0]  }
0x2: {  	s2 =	stileid.u32;
	s3 =	rddreg [dreg:$0x1]  }
0x3: {  	s8 =	simm.s32 $0x100;
	s10 =	simm.s32 $0x3000;
	s11 =	simm.s32 $0x5000  }
0x4: {  	s12 =	simm.s32 $0x7000;
	s28 =	simm.s32 $0x400;
	s29 =	simm.s32 $0x500  }
0x5: {  	s13 =	simm.s32 $0xB000;
	s30 =	simm.s32 $0x600;
	s14 =	simm.s32 $0xD000  }
0x6: {  	s31 =	simm.s32 $0x700;
	s15 =	simm.s32 $0xF000;
	s9 =	simm.s32 $0x1  }
0x7: {  	s7 =	simm.s32 $0x2;
	s16 =	simm.s32 $0x800;
	s17 =	simm.s32 $0x900  }
0x8: {  	p0 =	por $0x0, $0x0;
	s18 =	simm.s32 $0xA00;
	s19 =	simm.s32 $0xB00  }
0x9: {  	s20 =	simm.s32 $0xC00;
	s21 =	simm.s32 $0xD00;
	s0 =	sand.u32 $0x1, s0  }
0xa: {  	s4 =	sshll.u32 s2, $0x5;
	s2 =	simm.s32 $0x0;
	s5 =	sshll.u32 s0, $0x4  }
0xb: {  	[smem:$0x7FF] =	sst s2;
	s0 =	ssub.s32 $0x2, s0;
	s4 =	sor.u32 s5, s4  }
0xc: {  	_ =	strace $0x80000047;
	s24 =	sshrl.u32 s0, $0x1;
	s5 =	sshll.u32 s4, $0xA  }
0xd: {  	s4 =	sshll.u32 s4, $0x5;
	s0 =	ssub.s32 s0, s24;
	s24 =	simm.s32 $0x4  }
0xe: {  	s6 =	sadd.s32 s5, s1;
	s3 =	sadd.s32 s3, s4;
	s5 =	sadd.s32 $0x800, s1  }
0xf: {  	s0 =	smax.u32 s0, $0x1;
	s4 =	simm.s32 $0x3;
	[dreg:$0x3] =	wrdreg s3  }
0x10: {  	s22 =	sadd.s32 $0x1800, s6;
	s23 =	sadd.s32 $0x2800, s6;
	p1 =	sne.s32 s0, $0x1  }
.Ltmp0:
0x11: {  	s25 =	sadd.s32 $0x3800, s6;
	[dreg:$0x4] =	wrdreg s22;
	(pc) =	sbr.rel @!p1 .LBB2_3-.Ltmp0, $4  }
0x12: {  	s26 =	sadd.s32 $0x4800, s6;
	s6 =	simm.s32 $0x1000;
	[dreg:$0x5] =	wrdreg s23  }
0x13: {  	s3 =	simm.s32 $0x9000;
	s1 =	sadd.s32 $0xFFFFFFFF, s0;
	[dreg:$0x6] =	wrdreg s25  }
0x14: {  	[dreg:$0x7] =	wrdreg s26;
	s25 =	simm.s32 $0x200;
	s26 =	simm.s32 $0x300  }
0x15: {  	s22 =	simm.s32 $0xE00;
	s23 =	simm.s32 $0xF00;
	s0 =	rddreg [dreg:$0x3]  }
0x16: {  	[tilespmem:s2], [sflag:$0x4] =	stream.linear.gather [hbm4b:s0+s2], $0x1000, $0x38;
	[tilespmem:$0x11000] =	vst v63  }
0x17: {  	_ =	swait.ge [sflag:s24], $0x1000  }
0x18: {  	[sflag:s24] =	ssyncset.done $0x0  }
0x19: {  	[sflag:s24] =	ssyncadd.s32 $0xFFFFF000  }
0x1a: {  	[tilespmem:s6], [sflag:$0x1] =	stream.indirect.gather [hbm4b:s5+s8], $0x20, s2, s8, $0xb8;
	[tilespmem:$0x11000] =	vst v63  }
0x1b: {  	_ = 	snop  }
0x1c: {  	[tilespmem:s10], [sflag:$0x1] =	stream.indirect.gather [hbm4b:s5+s8], $0x20, s8, s8, $0xb8;
	[tilespmem:$0x11000] =	vst v63  }
0x1d: {  	_ = 	snop  }
0x1e: {  	[tilespmem:s11], [sflag:$0x1] =	stream.indirect.gather [hbm4b:s5+s8], $0x20, s25, s8, $0xb8;
	[tilespmem:$0x11000] =	vst v63  }
0x1f: {  	_ = 	snop  }
0x20: {  	[tilespmem:s12], [sflag:$0x1] =	stream.indirect.gather [hbm4b:s5+s8], $0x20, s26, s8, $0xb8;
	[tilespmem:$0x11000] =	vst v63  }
0x21: {  	_ = 	snop  }
0x22: {  	[tilespmem:s3], [sflag:$0x2] =	stream.indirect.gather [hbm4b:s5+s8], $0x20, s28, s8, $0xb8;
	[tilespmem:$0x11000] =	vst v63  }
0x23: {  	_ = 	snop  }
0x24: {  	[tilespmem:s13], [sflag:$0x2] =	stream.indirect.gather [hbm4b:s5+s8], $0x20, s29, s8, $0xb8;
	[tilespmem:$0x11000] =	vst v63  }
0x25: {  	_ = 	snop  }
0x26: {  	[tilespmem:s14], [sflag:$0x2] =	stream.indirect.gather [hbm4b:s5+s8], $0x20, s30, s8, $0xb8;
	[tilespmem:$0x11000] =	vst v63  }
0x27: {  	_ = 	snop  }
0x28: {  	[tilespmem:s15], [sflag:$0x2] =	stream.indirect.gather [hbm4b:s5+s8], $0x20, s31, s8, $0xb8;
	[tilespmem:$0x11000] =	vst v63  }
0x29: {  	_ =	swait.ge [sflag:s9], $0x2000  }
0x2a: {  	[sflag:s9] =	ssyncset.done $0x0  }
0x2b: {  	[sflag:s9] =	ssyncadd.s32 $0xFFFFE000  }
0x2c: {  	_ =	swait.ge [sflag:s9], $0x2000  }
0x2d: {  	[sflag:s9] =	ssyncset.done $0x0  }
0x2e: {  	[sflag:s9] =	ssyncadd.s32 $0xFFFFE000  }
0x2f: {  	_ =	swait.ge [sflag:s9], $0x2000  }
0x30: {  	[sflag:s9] =	ssyncset.done $0x0  }
0x31: {  	[sflag:s9] =	ssyncadd.s32 $0xFFFFE000  }
0x32: {  	_ =	swait.ge [sflag:s9], $0x2000  }
0x33: {  	[sflag:s9] =	ssyncset.done $0x0  }
0x34: {  	s0 =	rddreg [dreg:$0x4];
	[sflag:s9] =	ssyncadd.s32 $0xFFFFE000  }
0x35: {  	[hbm4b:s0+s2] =	stream.linear.scatter [tilespmem:s6], [sflag:$0x3], $0x8000, $0x38;
	[tilespmem:$0x11000] =	vst v63  }
0x36: {  	_ =	swait.ge [sflag:s7], $0x2000  }
0x37: {  	[sflag:s7] =	ssyncset.done $0x0  }
0x38: {  	[sflag:s7] =	ssyncadd.s32 $0xFFFFE000  }
0x39: {  	_ =	swait.ge [sflag:s7], $0x2000  }
0x3a: {  	[sflag:s7] =	ssyncset.done $0x0  }
0x3b: {  	[sflag:s7] =	ssyncadd.s32 $0xFFFFE000  }
0x3c: {  	_ =	swait.ge [sflag:s7], $0x2000  }
0x3d: {  	[sflag:s7] =	ssyncset.done $0x0  }
0x3e: {  	[sflag:s7] =	ssyncadd.s32 $0xFFFFE000  }
0x3f: {  	_ =	swait.ge [sflag:s7], $0x2000  }
0x40: {  	[sflag:s7] =	ssyncset.done $0x0  }
0x41: {  	s0 =	rddreg [dreg:$0x5];
	[sflag:s7] =	ssyncadd.s32 $0xFFFFE000  }
0x42: {  	[hbm4b:s0+s2] =	stream.linear.scatter [tilespmem:s3], [sflag:$0x3], $0x8000, $0x38;
	[tilespmem:$0x11000] =	vst v63  }
0x43: {  	_ =	swait.ge [sflag:s4], $0x8000  }
0x44: {  	[sflag:s4] =	ssyncset.done $0x0  }
0x45: {  	[sflag:s4] =	ssyncadd.s32 $0xFFFF8000  }
0x46: {  	_ =	swait.ge [sflag:s4], $0x8000  }
0x47: {  	[sflag:s4] =	ssyncset.done $0x0  }
0x48: {  	[sflag:s4] =	ssyncadd.s32 $0xFFFF8000  }
0x49: {  	[tilespmem:s6], [sflag:$0x1] =	stream.indirect.gather [hbm4b:s5+s8], $0x20, s16, s8, $0xb8;
	[tilespmem:$0x11000] =	vst v63  }
0x4a: {  	_ = 	snop  }
0x4b: {  	[tilespmem:s10], [sflag:$0x1] =	stream.indirect.gather [hbm4b:s5+s8], $0x20, s17, s8, $0xb8;
	[tilespmem:$0x11000] =	vst v63  }
0x4c: {  	_ = 	snop  }
0x4d: {  	[tilespmem:s11], [sflag:$0x1] =	stream.indirect.gather [hbm4b:s5+s8], $0x20, s18, s8, $0xb8;
	[tilespmem:$0x11000] =	vst v63  }
0x4e: {  	_ = 	snop  }
0x4f: {  	[tilespmem:s12], [sflag:$0x1] =	stream.indirect.gather [hbm4b:s5+s8], $0x20, s19, s8, $0xb8;
	[tilespmem:$0x11000] =	vst v63  }
0x50: {  	_ = 	snop  }
0x51: {  	[tilespmem:s3], [sflag:$0x2] =	stream.indirect.gather [hbm4b:s5+s8], $0x20, s20, s8, $0xb8;
	[tilespmem:$0x11000] =	vst v63  }
0x52: {  	_ = 	snop  }
0x53: {  	[tilespmem:s13], [sflag:$0x2] =	stream.indirect.gather [hbm4b:s5+s8], $0x20, s21, s8, $0xb8;
	[tilespmem:$0x11000] =	vst v63  }
0x54: {  	_ = 	snop  }
0x55: {  	[tilespmem:s14], [sflag:$0x2] =	stream.indirect.gather [hbm4b:s5+s8], $0x20, s22, s8, $0xb8;
	[tilespmem:$0x11000] =	vst v63  }
0x56: {  	_ = 	snop  }
0x57: {  	[tilespmem:s15], [sflag:$0x2] =	stream.indirect.gather [hbm4b:s5+s8], $0x20, s23, s8, $0xb8;
	[tilespmem:$0x11000] =	vst v63  }
0x58: {  	_ =	swait.ge [sflag:s9], $0x2000  }
0x59: {  	[sflag:s9] =	ssyncset.done $0x0  }
0x5a: {  	[sflag:s9] =	ssyncadd.s32 $0xFFFFE000  }
0x5b: {  	_ =	swait.ge [sflag:s9], $0x2000  }
0x5c: {  	[sflag:s9] =	ssyncset.done $0x0  }
0x5d: {  	[sflag:s9] =	ssyncadd.s32 $0xFFFFE000  }
0x5e: {  	_ =	swait.ge [sflag:s9], $0x2000  }
0x5f: {  	[sflag:s9] =	ssyncset.done $0x0  }
0x60: {  	[sflag:s9] =	ssyncadd.s32 $0xFFFFE000  }
0x61: {  	_ =	swait.ge [sflag:s9], $0x2000  }
0x62: {  	[sflag:s9] =	ssyncset.done $0x0  }
0x63: {  	s0 =	rddreg [dreg:$0x6];
	[sflag:s9] =	ssyncadd.s32 $0xFFFFE000  }
0x64: {  	[hbm4b:s0+s2] =	stream.linear.scatter [tilespmem:s6], [sflag:$0x3], $0x8000, $0x38;
	[tilespmem:$0x11000] =	vst v63  }
0x65: {  	_ =	swait.ge [sflag:s7], $0x2000  }
0x66: {  	[sflag:s7] =	ssyncset.done $0x0  }
0x67: {  	[sflag:s7] =	ssyncadd.s32 $0xFFFFE000  }
0x68: {  	_ =	swait.ge [sflag:s7], $0x2000  }
0x69: {  	[sflag:s7] =	ssyncset.done $0x0  }
0x6a: {  	[sflag:s7] =	ssyncadd.s32 $0xFFFFE000  }
0x6b: {  	_ =	swait.ge [sflag:s7], $0x2000  }
0x6c: {  	[sflag:s7] =	ssyncset.done $0x0  }
0x6d: {  	[sflag:s7] =	ssyncadd.s32 $0xFFFFE000  }
0x6e: {  	_ =	swait.ge [sflag:s7], $0x2000  }
0x6f: {  	[sflag:s7] =	ssyncset.done $0x0  }
0x70: {  	p1 =	sne.s32 s1, $0x1;
	s0 =	rddreg [dreg:$0x7];
	[sflag:s7] =	ssyncadd.s32 $0xFFFFE000  }
0x71: {  	[hbm4b:s0+s2] =	stream.linear.scatter [tilespmem:s3], [sflag:$0x3], $0x8000, $0x38;
	[tilespmem:$0x11000] =	vst v63  }
.Ltmp1:
0x72: {  	_ =	swait.ge [sflag:s4], $0x8000;
	(pc) =	sbr.rel @!p1 .LBB2_3-.Ltmp1, $4  }
0x73: {  	[sflag:s4] =	ssyncset.done $0x0  }
0x74: {  	[sflag:s4] =	ssyncadd.s32 $0xFFFF8000  }
0x75: {  	s1 =	sadd.s32 $0xFFFFFFFF, s1;
	_ =	swait.ge [sflag:s4], $0x8000  }
0x76: {  	p0 =	por $0x1, $0x1;
	s0 =	rddreg [dreg:$0x3];
	[sflag:s4] =	ssyncset.done $0x0  }
.LBB2_2:
0x77: {  	[sflag:s4] =	ssyncadd.s32 $0xFFFF8000  }
0x78: {  	[tilespmem:s2], [sflag:$0x4] =	stream.linear.gather [hbm4b:s0+s2], $0x1000, $0x38;
	[tilespmem:$0x11000] =	vst v63  }
0x79: {  	_ =	swait.ge [sflag:s24], $0x1000  }
0x7a: {  	[sflag:s24] =	ssyncset.done $0x0  }
0x7b: {  	[sflag:s24] =	ssyncadd.s32 $0xFFFFF000  }
0x7c: {  	[tilespmem:s6], [sflag:$0x1] =	stream.indirect.gather [hbm4b:s5+s8], $0x20, s2, s8, $0xb8;
	[tilespmem:$0x11000] =	vst v63  }
0x7d: {  	_ = 	snop  }
0x7e: {  	[tilespmem:s10], [sflag:$0x1] =	stream.indirect.gather [hbm4b:s5+s8], $0x20, s8, s8, $0xb8;
	[tilespmem:$0x11000] =	vst v63  }
0x7f: {  	_ = 	snop  }
0x80: {  	[tilespmem:s11], [sflag:$0x1] =	stream.indirect.gather [hbm4b:s5+s8], $0x20, s25, s8, $0xb8;
	[tilespmem:$0x11000] =	vst v63  }
0x81: {  	_ = 	snop  }
0x82: {  	[tilespmem:s12], [sflag:$0x1] =	stream.indirect.gather [hbm4b:s5+s8], $0x20, s26, s8, $0xb8;
	[tilespmem:$0x11000] =	vst v63  }
0x83: {  	_ = 	snop  }
0x84: {  	[tilespmem:s3], [sflag:$0x2] =	stream.indirect.gather [hbm4b:s5+s8], $0x20, s28, s8, $0xb8;
	[tilespmem:$0x11000] =	vst v63  }
0x85: {  	_ = 	snop  }
0x86: {  	[tilespmem:s13], [sflag:$0x2] =	stream.indirect.gather [hbm4b:s5+s8], $0x20, s29, s8, $0xb8;
	[tilespmem:$0x11000] =	vst v63  }
0x87: {  	_ = 	snop  }
0x88: {  	[tilespmem:s14], [sflag:$0x2] =	stream.indirect.gather [hbm4b:s5+s8], $0x20, s30, s8, $0xb8;
	[tilespmem:$0x11000] =	vst v63  }
0x89: {  	_ = 	snop  }
0x8a: {  	[tilespmem:s15], [sflag:$0x2] =	stream.indirect.gather [hbm4b:s5+s8], $0x20, s31, s8, $0xb8;
	[tilespmem:$0x11000] =	vst v63  }
0x8b: {  	_ =	swait.ge [sflag:s9], $0x2000  }
0x8c: {  	[sflag:s9] =	ssyncset.done $0x0  }
0x8d: {  	[sflag:s9] =	ssyncadd.s32 $0xFFFFE000  }
0x8e: {  	_ =	swait.ge [sflag:s9], $0x2000  }
0x8f: {  	[sflag:s9] =	ssyncset.done $0x0  }
0x90: {  	[sflag:s9] =	ssyncadd.s32 $0xFFFFE000  }
0x91: {  	_ =	swait.ge [sflag:s9], $0x2000  }
0x92: {  	[sflag:s9] =	ssyncset.done $0x0  }
0x93: {  	[sflag:s9] =	ssyncadd.s32 $0xFFFFE000  }
0x94: {  	_ =	swait.ge [sflag:s9], $0x2000  }
0x95: {  	[sflag:s9] =	ssyncset.done $0x0  }
0x96: {  	s0 =	rddreg [dreg:$0x4];
	[sflag:s9] =	ssyncadd.s32 $0xFFFFE000  }
0x97: {  	[hbm4b:s0+s2] =	stream.linear.scatter [tilespmem:s6], [sflag:$0x3], $0x8000, $0x38;
	[tilespmem:$0x11000] =	vst v63  }
0x98: {  	_ =	swait.ge [sflag:s7], $0x2000  }
0x99: {  	[sflag:s7] =	ssyncset.done $0x0  }
0x9a: {  	[sflag:s7] =	ssyncadd.s32 $0xFFFFE000  }
0x9b: {  	_ =	swait.ge [sflag:s7], $0x2000  }
0x9c: {  	[sflag:s7] =	ssyncset.done $0x0  }
0x9d: {  	[sflag:s7] =	ssyncadd.s32 $0xFFFFE000  }
0x9e: {  	_ =	swait.ge [sflag:s7], $0x2000  }
0x9f: {  	[sflag:s7] =	ssyncset.done $0x0  }
0xa0: {  	[sflag:s7] =	ssyncadd.s32 $0xFFFFE000  }
0xa1: {  	_ =	swait.ge [sflag:s7], $0x2000  }
0xa2: {  	[sflag:s7] =	ssyncset.done $0x0  }
0xa3: {  	s0 =	rddreg [dreg:$0x5];
	[sflag:s7] =	ssyncadd.s32 $0xFFFFE000  }
0xa4: {  	[hbm4b:s0+s2] =	stream.linear.scatter [tilespmem:s3], [sflag:$0x3], $0x8000, $0x38;
	[tilespmem:$0x11000] =	vst v63  }
0xa5: {  	_ =	swait.ge [sflag:s4], $0x8000  }
0xa6: {  	[sflag:s4] =	ssyncset.done $0x0  }
0xa7: {  	[sflag:s4] =	ssyncadd.s32 $0xFFFF8000  }
0xa8: {  	_ =	swait.ge [sflag:s4], $0x8000  }
0xa9: {  	[sflag:s4] =	ssyncset.done $0x0  }
0xaa: {  	[sflag:s4] =	ssyncadd.s32 $0xFFFF8000  }
0xab: {  	[tilespmem:s6], [sflag:$0x1] =	stream.indirect.gather [hbm4b:s5+s8], $0x20, s16, s8, $0xb8;
	[tilespmem:$0x11000] =	vst v63  }
0xac: {  	_ = 	snop  }
0xad: {  	[tilespmem:s10], [sflag:$0x1] =	stream.indirect.gather [hbm4b:s5+s8], $0x20, s17, s8, $0xb8;
	[tilespmem:$0x11000] =	vst v63  }
0xae: {  	_ = 	snop  }
0xaf: {  	[tilespmem:s11], [sflag:$0x1] =	stream.indirect.gather [hbm4b:s5+s8], $0x20, s18, s8, $0xb8;
	[tilespmem:$0x11000] =	vst v63  }
0xb0: {  	_ = 	snop  }
0xb1: {  	[tilespmem:s12], [sflag:$0x1] =	stream.indirect.gather [hbm4b:s5+s8], $0x20, s19, s8, $0xb8;
	[tilespmem:$0x11000] =	vst v63  }
0xb2: {  	_ = 	snop  }
0xb3: {  	[tilespmem:s3], [sflag:$0x2] =	stream.indirect.gather [hbm4b:s5+s8], $0x20, s20, s8, $0xb8;
	[tilespmem:$0x11000] =	vst v63  }
0xb4: {  	_ = 	snop  }
0xb5: {  	[tilespmem:s13], [sflag:$0x2] =	stream.indirect.gather [hbm4b:s5+s8], $0x20, s21, s8, $0xb8;
	[tilespmem:$0x11000] =	vst v63  }
0xb6: {  	_ = 	snop  }
0xb7: {  	[tilespmem:s14], [sflag:$0x2] =	stream.indirect.gather [hbm4b:s5+s8], $0x20, s22, s8, $0xb8;
	[tilespmem:$0x11000] =	vst v63  }
0xb8: {  	_ = 	snop  }
0xb9: {  	[tilespmem:s15], [sflag:$0x2] =	stream.indirect.gather [hbm4b:s5+s8], $0x20, s23, s8, $0xb8;
	[tilespmem:$0x11000] =	vst v63  }
0xba: {  	_ =	swait.ge [sflag:s9], $0x2000  }
0xbb: {  	[sflag:s9] =	ssyncset.done $0x0  }
0xbc: {  	[sflag:s9] =	ssyncadd.s32 $0xFFFFE000  }
0xbd: {  	_ =	swait.ge [sflag:s9], $0x2000  }
0xbe: {  	[sflag:s9] =	ssyncset.done $0x0  }
0xbf: {  	[sflag:s9] =	ssyncadd.s32 $0xFFFFE000  }
0xc0: {  	_ =	swait.ge [sflag:s9], $0x2000  }
0xc1: {  	[sflag:s9] =	ssyncset.done $0x0  }
0xc2: {  	[sflag:s9] =	ssyncadd.s32 $0xFFFFE000  }
0xc3: {  	_ =	swait.ge [sflag:s9], $0x2000  }
0xc4: {  	[sflag:s9] =	ssyncset.done $0x0  }
0xc5: {  	s0 =	rddreg [dreg:$0x6];
	[sflag:s9] =	ssyncadd.s32 $0xFFFFE000  }
0xc6: {  	[hbm4b:s0+s2] =	stream.linear.scatter [tilespmem:s6], [sflag:$0x3], $0x8000, $0x38;
	[tilespmem:$0x11000] =	vst v63  }
0xc7: {  	_ =	swait.ge [sflag:s7], $0x2000  }
0xc8: {  	[sflag:s7] =	ssyncset.done $0x0  }
0xc9: {  	[sflag:s7] =	ssyncadd.s32 $0xFFFFE000  }
0xca: {  	_ =	swait.ge [sflag:s7], $0x2000  }
0xcb: {  	[sflag:s7] =	ssyncset.done $0x0  }
0xcc: {  	[sflag:s7] =	ssyncadd.s32 $0xFFFFE000  }
0xcd: {  	_ =	swait.ge [sflag:s7], $0x2000  }
0xce: {  	[sflag:s7] =	ssyncset.done $0x0  }
0xcf: {  	[sflag:s7] =	ssyncadd.s32 $0xFFFFE000  }
0xd0: {  	_ =	swait.ge [sflag:s7], $0x2000  }
0xd1: {  	[sflag:s7] =	ssyncset.done $0x0  }
0xd2: {  	p1 =	sne.s32 s1, $0x1;
	s0 =	rddreg [dreg:$0x7];
	[sflag:s7] =	ssyncadd.s32 $0xFFFFE000  }
0xd3: {  	[hbm4b:s0+s2] =	stream.linear.scatter [tilespmem:s3], [sflag:$0x3], $0x8000, $0x38;
	[tilespmem:$0x11000] =	vst v63  }
.Ltmp2:
0xd4: {  	_ =	swait.ge [sflag:s4], $0x8000;
	(pc) =	sbr.rel @p1 .LBB2_2-.Ltmp2, $4  }
0xd5: {  	[sflag:s4] =	ssyncset.done $0x0  }
0xd6: {  	[sflag:s4] =	ssyncadd.s32 $0xFFFF8000  }
0xd7: {  	_ =	swait.ge [sflag:s4], $0x8000  }
0xd8: {  	s1 =	sadd.s32 $0xFFFFFFFF, s1;
	s0 =	rddreg [dreg:$0x3];
	[sflag:s4] =	ssyncset.done $0x0  }
.LBB2_3:
0xd9: {  	[sflag:s4] =	ssyncadd.s32 @p0 $0xFFFF8000  }
0xda: {  	[tilespmem:s2], [sflag:$0x4] =	stream.linear.gather [hbm4b:s0+s2], $0x1000, $0x38;
	[tilespmem:$0x11000] =	vst v63  }
0xdb: {  	_ =	swait.ge [sflag:s24], $0x1000  }
0xdc: {  	[sflag:s24] =	ssyncset.done $0x0  }
0xdd: {  	[sflag:s24] =	ssyncadd.s32 $0xFFFFF000  }
0xde: {  	[tilespmem:s6], [sflag:$0x1] =	stream.indirect.gather [hbm4b:s5+s8], $0x20, s2, s8, $0xb8;
	[tilespmem:$0x11000] =	vst v63  }
0xdf: {  	_ = 	snop  }
0xe0: {  	[tilespmem:s10], [sflag:$0x1] =	stream.indirect.gather [hbm4b:s5+s8], $0x20, s8, s8, $0xb8;
	[tilespmem:$0x11000] =	vst v63  }
0xe1: {  	_ = 	snop  }
0xe2: {  	[tilespmem:s11], [sflag:$0x1] =	stream.indirect.gather [hbm4b:s5+s8], $0x20, s25, s8, $0xb8;
	[tilespmem:$0x11000] =	vst v63  }
0xe3: {  	_ = 	snop  }
0xe4: {  	[tilespmem:s12], [sflag:$0x1] =	stream.indirect.gather [hbm4b:s5+s8], $0x20, s26, s8, $0xb8;
	[tilespmem:$0x11000] =	vst v63  }
0xe5: {  	_ = 	snop  }
0xe6: {  	[tilespmem:s3], [sflag:$0x2] =	stream.indirect.gather [hbm4b:s5+s8], $0x20, s28, s8, $0xb8;
	[tilespmem:$0x11000] =	vst v63  }
0xe7: {  	_ = 	snop  }
0xe8: {  	[tilespmem:s13], [sflag:$0x2] =	stream.indirect.gather [hbm4b:s5+s8], $0x20, s29, s8, $0xb8;
	[tilespmem:$0x11000] =	vst v63  }
0xe9: {  	_ = 	snop  }
0xea: {  	[tilespmem:s14], [sflag:$0x2] =	stream.indirect.gather [hbm4b:s5+s8], $0x20, s30, s8, $0xb8;
	[tilespmem:$0x11000] =	vst v63  }
0xeb: {  	_ = 	snop  }
0xec: {  	[tilespmem:s15], [sflag:$0x2] =	stream.indirect.gather [hbm4b:s5+s8], $0x20, s31, s8, $0xb8;
	[tilespmem:$0x11000] =	vst v63  }
0xed: {  	_ =	swait.ge [sflag:s9], $0x2000  }
0xee: {  	[sflag:s9] =	ssyncset.done $0x0  }
0xef: {  	[sflag:s9] =	ssyncadd.s32 $0xFFFFE000  }
0xf0: {  	_ =	swait.ge [sflag:s9], $0x2000  }
0xf1: {  	[sflag:s9] =	ssyncset.done $0x0  }
0xf2: {  	[sflag:s9] =	ssyncadd.s32 $0xFFFFE000  }
0xf3: {  	_ =	swait.ge [sflag:s9], $0x2000  }
0xf4: {  	[sflag:s9] =	ssyncset.done $0x0  }
0xf5: {  	[sflag:s9] =	ssyncadd.s32 $0xFFFFE000  }
0xf6: {  	_ =	swait.ge [sflag:s9], $0x2000  }
0xf7: {  	[sflag:s9] =	ssyncset.done $0x0  }
0xf8: {  	s26 =	rddreg [dreg:$0x4];
	[sflag:s9] =	ssyncadd.s32 $0xFFFFE000  }
0xf9: {  	[hbm4b:s26+s2] =	stream.linear.scatter [tilespmem:s6], [sflag:$0x3], $0x8000, $0x38;
	[tilespmem:$0x11000] =	vst v63  }
0xfa: {  	_ =	swait.ge [sflag:s7], $0x2000  }
0xfb: {  	[sflag:s7] =	ssyncset.done $0x0  }
0xfc: {  	[sflag:s7] =	ssyncadd.s32 $0xFFFFE000  }
0xfd: {  	_ =	swait.ge [sflag:s7], $0x2000  }
0xfe: {  	[sflag:s7] =	ssyncset.done $0x0  }
0xff: {  	[sflag:s7] =	ssyncadd.s32 $0xFFFFE000  }
0x100: {  	_ =	swait.ge [sflag:s7], $0x2000  }
0x101: {  	[sflag:s7] =	ssyncset.done $0x0  }
0x102: {  	[sflag:s7] =	ssyncadd.s32 $0xFFFFE000  }
0x103: {  	_ =	swait.ge [sflag:s7], $0x2000  }
0x104: {  	[sflag:s7] =	ssyncset.done $0x0  }
0x105: {  	s28 =	rddreg [dreg:$0x5];
	[sflag:s7] =	ssyncadd.s32 $0xFFFFE000  }
0x106: {  	[hbm4b:s28+s2] =	stream.linear.scatter [tilespmem:s3], [sflag:$0x3], $0x8000, $0x38;
	[tilespmem:$0x11000] =	vst v63  }
0x107: {  	_ =	swait.ge [sflag:s4], $0x8000  }
0x108: {  	[sflag:s4] =	ssyncset.done $0x0  }
0x109: {  	[sflag:s4] =	ssyncadd.s32 $0xFFFF8000  }
0x10a: {  	_ =	swait.ge [sflag:s4], $0x8000  }
0x10b: {  	[sflag:s4] =	ssyncset.done $0x0  }
0x10c: {  	[sflag:s4] =	ssyncadd.s32 $0xFFFF8000  }
0x10d: {  	[tilespmem:s6], [sflag:$0x1] =	stream.indirect.gather [hbm4b:s5+s8], $0x20, s16, s8, $0xb8;
	[tilespmem:$0x11000] =	vst v63  }
0x10e: {  	_ = 	snop  }
0x10f: {  	[tilespmem:s10], [sflag:$0x1] =	stream.indirect.gather [hbm4b:s5+s8], $0x20, s17, s8, $0xb8;
	[tilespmem:$0x11000] =	vst v63  }
0x110: {  	_ = 	snop  }
0x111: {  	[tilespmem:s11], [sflag:$0x1] =	stream.indirect.gather [hbm4b:s5+s8], $0x20, s18, s8, $0xb8;
	[tilespmem:$0x11000] =	vst v63  }
0x112: {  	_ = 	snop  }
0x113: {  	[tilespmem:s12], [sflag:$0x1] =	stream.indirect.gather [hbm4b:s5+s8], $0x20, s19, s8, $0xb8;
	[tilespmem:$0x11000] =	vst v63  }
0x114: {  	_ = 	snop  }
0x115: {  	[tilespmem:s3], [sflag:$0x2] =	stream.indirect.gather [hbm4b:s5+s8], $0x20, s20, s8, $0xb8;
	[tilespmem:$0x11000] =	vst v63  }
0x116: {  	_ = 	snop  }
0x117: {  	[tilespmem:s13], [sflag:$0x2] =	stream.indirect.gather [hbm4b:s5+s8], $0x20, s21, s8, $0xb8;
	[tilespmem:$0x11000] =	vst v63  }
0x118: {  	_ = 	snop  }
0x119: {  	[tilespmem:s14], [sflag:$0x2] =	stream.indirect.gather [hbm4b:s5+s8], $0x20, s22, s8, $0xb8;
	[tilespmem:$0x11000] =	vst v63  }
0x11a: {  	_ = 	snop  }
0x11b: {  	[tilespmem:s15], [sflag:$0x2] =	stream.indirect.gather [hbm4b:s5+s8], $0x20, s23, s8, $0xb8;
	[tilespmem:$0x11000] =	vst v63  }
0x11c: {  	_ =	swait.ge [sflag:s9], $0x2000  }
0x11d: {  	[sflag:s9] =	ssyncset.done $0x0  }
0x11e: {  	[sflag:s9] =	ssyncadd.s32 $0xFFFFE000  }
0x11f: {  	_ =	swait.ge [sflag:s9], $0x2000  }
0x120: {  	[sflag:s9] =	ssyncset.done $0x0  }
0x121: {  	[sflag:s9] =	ssyncadd.s32 $0xFFFFE000  }
0x122: {  	_ =	swait.ge [sflag:s9], $0x2000  }
0x123: {  	[sflag:s9] =	ssyncset.done $0x0  }
0x124: {  	[sflag:s9] =	ssyncadd.s32 $0xFFFFE000  }
0x125: {  	_ =	swait.ge [sflag:s9], $0x2000  }
0x126: {  	[sflag:s9] =	ssyncset.done $0x0  }
0x127: {  	s29 =	rddreg [dreg:$0x6];
	[sflag:s9] =	ssyncadd.s32 $0xFFFFE000  }
0x128: {  	[hbm4b:s29+s2] =	stream.linear.scatter [tilespmem:s6], [sflag:$0x3], $0x8000, $0x38;
	[tilespmem:$0x11000] =	vst v63  }
0x129: {  	_ =	swait.ge [sflag:s7], $0x2000  }
0x12a: {  	[sflag:s7] =	ssyncset.done $0x0  }
0x12b: {  	[sflag:s7] =	ssyncadd.s32 $0xFFFFE000  }
0x12c: {  	_ =	swait.ge [sflag:s7], $0x2000  }
0x12d: {  	[sflag:s7] =	ssyncset.done $0x0  }
0x12e: {  	[sflag:s7] =	ssyncadd.s32 $0xFFFFE000  }
0x12f: {  	_ =	swait.ge [sflag:s7], $0x2000  }
0x130: {  	[sflag:s7] =	ssyncset.done $0x0  }
0x131: {  	[sflag:s7] =	ssyncadd.s32 $0xFFFFE000  }
0x132: {  	_ =	swait.ge [sflag:s7], $0x2000  }
0x133: {  	[sflag:s7] =	ssyncset.done $0x0  }
0x134: {  	s30 =	rddreg [dreg:$0x7];
	[sflag:s7] =	ssyncadd.s32 $0xFFFFE000  }
0x135: {  	[hbm4b:s30+s2] =	stream.linear.scatter [tilespmem:s3], [sflag:$0x3], $0x8000, $0x38;
	[tilespmem:$0x11000] =	vst v63  }
0x136: {  	_ =	swait.ge [sflag:s4], $0x8000  }
0x137: {  	[sflag:s4] =	ssyncset.done $0x0  }
0x138: {  	[sflag:s4] =	ssyncadd.s32 $0xFFFF8000  }
0x139: {  	_ =	swait.ge [sflag:s4], $0x8000  }
0x13a: {  	[sflag:s4] =	ssyncset.done $0x0  }
0x13b: {  	[sflag:s4] =	ssyncadd.s32 $0xFFFF8000  }
0x13c: {  	_ =	sfence.sel $0x180000  }
0x13d: {  	[bflag:$0x0] =	sbarrier.arrive $0xFFFF  }
0x13e: {  	_ =	strace $0x90000047  }
0x13f: {  	s31 =	stileid.u32;
	[bflag:$0x2] =	sbarrier.arrive $0xFFFF  }
0x140: {  	p0 =	sne.s32 s31, $0x0;
	s0 =	rddreg [dreg:$0x2]  }
0x141: {  	s0 =	sadd.s32 @!p0 $0x100000, s0  }
0x142: {  	[sflag:s0] =	ssyncadd.tile.s32 @!p0 $0x1;
	_ =	shalt  }
.Lfunc_end2:
_tile_overlayer_lowered:
.L_overlay_start_2:
0x143: {  	(tag) =	ssettag $0x2  }
0x144: {  	s0 =	rddreg [dreg:$0x0];
	s2 =	stileid.u32  }
0x145: {  	s1 =	rddreg [dreg:$0x1];
	p0 =	sne.s32 s2, $0x0  }
0x146: {  	s3 =	rddreg [dreg:$0x2];
	[bflag:$0x3] =	sbarrier.arrive $0xFFFF;
	s2 =	simm.s32 @!p0 $0x1C04  }
0x147: {  	[timem:s3], [sflag:s2] =	dma.local @!p0 [hbm:s0], s1  }
0x148: {  	s0 =	simm.s32 @!p0 $0x4  }
0x149: {  	_ =	swait.ge @!p0 [sflag:s0], s1  }
0x14a: {  	s1 =	ssub.s32 @!p0 $0x0, s1;
	[sflag:s0] =	ssyncset.done @!p0 $0x0  }
0x14b: {  	[sflag:s0] =	ssyncadd.s32 @!p0 s1  }
0x14c: {  	[bflag:$0x3] =	sbarrier.arrive $0xFFFF  }
0x14d: {  	_ =	shalt  }

</sc_bundles>
